<compile_context>
chip_gen: v7x
topology: tpu7x:2x2x1
jax: 0.10.2.dev20260603
libtpu: 0.0.44.dev20260713+nightly
codegen_flags: <defaults>
</compile_context>

<pallas_src>
import functools

import jax
import jax.numpy as jnp
from jax import lax
from jax.experimental import pallas as pl
from jax.experimental.pallas import tpu as pltpu
from jax.experimental.pallas import tpu_sc as plsc

_N = 10000
_D = 128
_E = 320000

_NUM_CORES = 2
_NUM_SUBCORES = 16
_NW = _NUM_CORES * _NUM_SUBCORES
_CHUNK = 128
_NCHUNK = 80
_EPAD = _NW * _NCHUNK * _CHUNK
_NPAD = 10240
_ROWS_PER_TILE = _NPAD // _NUM_SUBCORES
_ZROWS = 64

_ROW_BLOCK = 1000
_GRID = _N // _ROW_BLOCK


def _make_seg_sum():
  mesh = plsc.VectorSubcoreMesh(core_axis_name="c", subcore_axis_name="s")

  @functools.partial(
      pl.kernel,
      mesh=mesh,
      out_type=jax.ShapeDtypeStruct((_NUM_CORES, _NPAD, _D), jnp.float32),
      scratch_types=[
          pltpu.VMEM((_CHUNK,), jnp.int32),
          pltpu.VMEM((_CHUNK,), jnp.int32),
          pltpu.VMEM((_CHUNK,), jnp.int32),
          pltpu.VMEM((_CHUNK,), jnp.int32),
          pltpu.VMEM((_CHUNK, _D), jnp.float32),
          pltpu.VMEM((_CHUNK, _D), jnp.float32),
          pltpu.VMEM((_ZROWS, _D), jnp.float32),
          pltpu.VMEM_SHARED((_NPAD, _D), jnp.float32),
          pltpu.SemaphoreType.DMA,
          pltpu.SemaphoreType.DMA,
          pltpu.SemaphoreType.DMA,
          pltpu.SemaphoreType.DMA,
      ],
  )
  def seg_sum(table_hbm, u_hbm, v_hbm, out_hbm, u0_v, u1_v, v0_v, v1_v,
              rows0_v, rows1_v, stage_v, acc_sh, isem0, isem1, rsem0, rsem1):
    c = lax.axis_index("c")
    s = lax.axis_index("s")
    wid = s * _NUM_CORES + c
    base0 = wid * _NCHUNK * _CHUNK

    uu = (u0_v, u1_v)
    vv = (v0_v, v1_v)
    isem = (isem0, isem1)
    rows = (rows0_v, rows1_v)
    rsem = (rsem0, rsem1)

    def issue_idx(g, b):
      off = pl.multiple_of(base0 + g * _CHUNK, 8)
      pltpu.async_copy(u_hbm.at[pl.ds(off, _CHUNK)], uu[b], isem[b])
      pltpu.async_copy(v_hbm.at[pl.ds(off, _CHUNK)], vv[b], isem[b])

    def wait_idx(b):
      pltpu.make_async_copy(u_hbm.at[pl.ds(0, _CHUNK)], uu[b],
                            isem[b]).wait()
      pltpu.make_async_copy(v_hbm.at[pl.ds(0, _CHUNK)], vv[b],
                            isem[b]).wait()

    issue_idx(0, 0)
    issue_idx(1, 1)

    def zero_row(r, _):
      def zero_col(cc, _):
        stage_v[r, pl.ds(cc * 16, 16)] = jnp.zeros((16,), jnp.float32)
        return 0
      return lax.fori_loop(0, _D // 16, zero_col, 0)
    lax.fori_loop(0, _ZROWS, zero_row, 0)

    row0 = s * _ROWS_PER_TILE
    def zcopy(k, _):
      pltpu.sync_copy(stage_v, acc_sh.at[pl.ds(row0 + k * _ZROWS, _ZROWS)])
      return 0
    lax.fori_loop(0, _ROWS_PER_TILE // _ZROWS, zcopy, 0)

    wait_idx(0)
    plsc.subcore_barrier()

    pltpu.async_copy(table_hbm.at[u0_v], rows0_v, rsem0)

    def step(g, b):
      pltpu.make_async_copy(table_hbm.at[uu[b]], rows[b], rsem[b]).wait()
      @pl.when(g + 1 < _NCHUNK)
      def _():
        wait_idx(1 - b)
        pltpu.async_copy(table_hbm.at[uu[1 - b]], rows[1 - b], rsem[1 - b])
      pltpu.sync_copy(rows[b], acc_sh.at[vv[b]], add=True)
      @pl.when(g + 2 < _NCHUNK)
      def _():
        issue_idx(g + 2, b)

    def body(i, _):
      for b in range(2):
        step(i * 2 + b, b)
      return 0
    lax.fori_loop(0, _NCHUNK // 2, body, 0)

    plsc.subcore_barrier()

    def wb(k, _):
      sl = pl.ds(row0 + k * _ZROWS, _ZROWS)
      pltpu.sync_copy(acc_sh.at[sl], stage_v)
      pltpu.sync_copy(stage_v, out_hbm.at[c].at[sl])
      return 0
    lax.fori_loop(0, _ROWS_PER_TILE // _ZROWS, wb, 0)

  return seg_sum


_seg_sum = _make_seg_sum()


def _dotT(a, w):
  return lax.dot_general(a, w, (((1,), (1,)), ((), ())),
                         preferred_element_type=jnp.float32)


def _proj_body(x_ref, w_ref, y_ref, ge_ref):
  x = x_ref[...]
  y_ref[...] = _dotT(x, w_ref[...])
  @pl.when(pl.program_id(0) == 0)
  def _():
    ge_ref[...] = jnp.zeros_like(ge_ref)
  ge_ref[...] += jnp.sum(x, axis=0, keepdims=True)


def _stage_mid_body(y_ref, p0_ref, p1_ref, b1_ref, w2_ref, b2_ref, wn_ref,
                    ynext_ref, ge_ref):
  z = jnp.maximum(y_ref[...] + p0_ref[0] + p1_ref[0] + b1_ref[...], 0.0)
  ne = jnp.maximum(_dotT(z, w2_ref[...]) + b2_ref[...], 0.0)
  ynext_ref[...] = _dotT(ne, wn_ref[...])
  @pl.when(pl.program_id(0) == 0)
  def _():
    ge_ref[...] = jnp.zeros_like(ge_ref)
  ge_ref[...] += jnp.sum(ne, axis=0, keepdims=True)


def _stage_last_body(y_ref, p0_ref, p1_ref, b1_ref, w2_ref, b2_ref,
                     ne_ref, ge_ref):
  z = jnp.maximum(y_ref[...] + p0_ref[0] + p1_ref[0] + b1_ref[...], 0.0)
  ne = jnp.maximum(_dotT(z, w2_ref[...]) + b2_ref[...], 0.0)
  ne_ref[...] = ne
  @pl.when(pl.program_id(0) == 0)
  def _():
    ge_ref[...] = jnp.zeros_like(ge_ref)
  ge_ref[...] += jnp.sum(ne, axis=0, keepdims=True)


def _final_body(ne_ref, ge0_ref, ge1_ref, ge2_ref, g0w_ref, g0b_ref,
                g1w_ref, g1b_ref, g2w_ref, g2b_ref, glw_ref, glb_ref,
                out_ref):
  o0 = jnp.maximum(_dotT(ge0_ref[...], g0w_ref[...]) + g0b_ref[...], 0.0)
  o1 = jnp.maximum(_dotT(ge1_ref[...], g1w_ref[...]) + g1b_ref[...], 0.0)
  o2 = jnp.maximum(_dotT(ge2_ref[...], g2w_ref[...]) + g2b_ref[...], 0.0)
  s = o0 + o1 + o2
  olast = jnp.maximum(_dotT(s, glw_ref[...]) + glb_ref[...], 0.0)
  out_ref[...] = ne_ref[...] + olast


def _row_spec(d):
  return pl.BlockSpec((_ROW_BLOCK, d), lambda i: (i, 0))


def _full_spec(shape):
  return pl.BlockSpec(shape, lambda i: tuple(0 for _ in shape))


def _proj(x, w, d_in):
  return pl.pallas_call(
      _proj_body,
      grid=(_GRID,),
      in_specs=[_row_spec(d_in), _full_spec(w.shape)],
      out_specs=[_row_spec(_D), _full_spec((1, d_in))],
      out_shape=[jax.ShapeDtypeStruct((_N, _D), jnp.float32),
                 jax.ShapeDtypeStruct((1, d_in), jnp.float32)],
  )(x, w)


def _stage_mid(y, p, b1, w2, b2, wn):
  return pl.pallas_call(
      _stage_mid_body,
      grid=(_GRID,),
      in_specs=[_row_spec(_D),
                pl.BlockSpec((1, _ROW_BLOCK, _D), lambda i: (0, i, 0)),
                pl.BlockSpec((1, _ROW_BLOCK, _D), lambda i: (1, i, 0)),
                _full_spec((1, _D)), _full_spec((_D, _D)),
                _full_spec((1, _D)), _full_spec((_D, _D))],
      out_specs=[_row_spec(_D), _full_spec((1, _D))],
      out_shape=[jax.ShapeDtypeStruct((_N, _D), jnp.float32),
                 jax.ShapeDtypeStruct((1, _D), jnp.float32)],
  )(y, p, p, b1, w2, b2, wn)


def _stage_last(y, p, b1, w2, b2):
  return pl.pallas_call(
      _stage_last_body,
      grid=(_GRID,),
      in_specs=[_row_spec(_D),
                pl.BlockSpec((1, _ROW_BLOCK, _D), lambda i: (0, i, 0)),
                pl.BlockSpec((1, _ROW_BLOCK, _D), lambda i: (1, i, 0)),
                _full_spec((1, _D)), _full_spec((_D, _D)),
                _full_spec((1, _D))],
      out_specs=[_row_spec(_D), _full_spec((1, _D))],
      out_shape=[jax.ShapeDtypeStruct((_N, _D), jnp.float32),
                 jax.ShapeDtypeStruct((1, _D), jnp.float32)],
  )(y, p, p, b1, w2, b2)


def _final(ne2, ge0, ge1, ge2, g0w, g0b, g1w, g1b, g2w, g2b, glw, glb):
  d_in = ge0.shape[1]
  return pl.pallas_call(
      _final_body,
      grid=(_GRID,),
      in_specs=[_row_spec(_D),
                _full_spec((1, d_in)), _full_spec((1, _D)), _full_spec((1, _D)),
                _full_spec((_D, d_in)), _full_spec((1, _D)),
                _full_spec((_D, _D)), _full_spec((1, _D)),
                _full_spec((_D, _D)), _full_spec((1, _D)),
                _full_spec((_D, _D)), _full_spec((1, _D))],
      out_specs=_row_spec(_D),
      out_shape=jax.ShapeDtypeStruct((_N, _D), jnp.float32),
  )(ne2, ge0, ge1, ge2, g0w, g0b, g1w, g1b, g2w, g2b, glw, glb)


@jax.jit
def _run(x, u, v, g0_W, g0_b, g1_W, g1_b, g2_W, g2_b, gl_W, gl_b,
         m1_W1, m1_b1, m1_W2, m1_b2, m2_W1, m2_b1, m2_W2, m2_b2):
  r = lambda b: b.reshape(1, -1)

  y1, ge0 = _proj(x, m1_W1, x.shape[1])

  p1 = _seg_sum(y1, u, v)
  y2, ge1 = _stage_mid(y1, p1, r(m1_b1), m1_W2, r(m1_b2), m2_W1)

  p2 = _seg_sum(y2, u, v)
  ne2, ge2 = _stage_last(y2, p2, r(m2_b1), m2_W2, r(m2_b2))

  return _final(ne2, ge0, ge1, ge2, g0_W, r(g0_b), g1_W, r(g1_b),
                g2_W, r(g2_b), gl_W, r(gl_b))


def kernel(x, edge_index, g0_W, g0_b, g1_W, g1_b, g2_W, g2_b, gl_W, gl_b,
           m1_W1, m1_b1, m1_W2, m1_b2, m2_W1, m2_b1, m2_W2, m2_b2):
  npad_e = _EPAD - _E
  if npad_e:
    pad_i = jnp.arange(npad_e, dtype=jnp.int32)
    u = jnp.concatenate([edge_index[0], pad_i % _N])
    v = jnp.concatenate([edge_index[1], _N + pad_i % (_NPAD - _N)])
  else:
    u = edge_index[0]
    v = edge_index[1]
  return _run(x, u, v, g0_W, g0_b, g1_W, g1_b, g2_W, g2_b, gl_W, gl_b,
              m1_W1, m1_b1, m1_W2, m1_b2, m2_W1, m2_b1, m2_W2, m2_b2)

# --- scband reference (transcript-rebuilt; emitter-appended) ---
"""Pipeline reference for scband-sp-gin-8383776162609 (READ-ONLY COPY).

The authoritative reference and input builder live on the scoring server;
editing this copy changes nothing except your own understanding.
"""

import jax, jax.numpy as jnp
import numpy as np

N = 10000
E = 320000
D_IN = 162
D1 = 128
D2 = 128


def _lin(x, W, b):
    return x @ W.T + b


def setup_inputs(seed: int = 0) -> dict:
    key = jax.random.key(seed)
    ks = jax.random.split(key, 20)

    def w(k, out_d, in_d):
        return jax.random.normal(k, (out_d, in_d), jnp.float32) * (1.0 / np.sqrt(in_d))

    def b(k, out_d):
        return jax.random.normal(k, (out_d,), jnp.float32) * 0.01

    inp = {
        "x": jax.random.normal(ks[0], (N, D_IN), jnp.float32),
        "edge_index": jax.random.randint(ks[1], (2, E), 0, N, jnp.int32),
        "g0_W": w(ks[2], D1, D_IN), "g0_b": b(ks[3], D1),
        "g1_W": w(ks[4], D2, D1), "g1_b": b(ks[5], D2),
        "g2_W": w(ks[6], D2, D1), "g2_b": b(ks[7], D2),
        "gl_W": w(ks[8], D2, D1), "gl_b": b(ks[9], D2),
        "m1_W1": w(ks[10], D1, D_IN), "m1_b1": b(ks[11], D1),
        "m1_W2": w(ks[12], D1, D1), "m1_b2": b(ks[13], D1),
        "m2_W1": w(ks[14], D2, D1), "m2_b1": b(ks[15], D2),
        "m2_W2": w(ks[16], D2, D2), "m2_b2": b(ks[17], D2),
    }
    return inp


def reference(x, edge_index, g0_W, g0_b, g1_W, g1_b, g2_W, g2_b, gl_W, gl_b,
              m1_W1, m1_b1, m1_W2, m1_b2, m2_W1, m2_b1, m2_W2, m2_b2):
    act = jax.nn.relu
    u = edge_index[0]
    v = edge_index[1]

    # graph embedding path 0 (raw features)
    ge0 = jnp.sum(x, axis=0)
    o0 = act(_lin(ge0, g0_W, g0_b))

    # GINConv 1: (1+eps)*h_dst + sum_{u->v} h_src, eps=0, then GIN_MLP
    agg1 = jax.ops.segment_sum(x[u], v, num_segments=N)
    h1 = x + agg1
    ne1 = act(_lin(act(_lin(h1, m1_W1, m1_b1)), m1_W2, m1_b2))
    ge1 = jnp.sum(ne1, axis=0)
    o1 = act(_lin(ge1, g1_W, g1_b))

    # GINConv 2
    agg2 = jax.ops.segment_sum(ne1[u], v, num_segments=N)
    h2 = ne1 + agg2
    ne2 = act(_lin(act(_lin(h2, m2_W1, m2_b1)), m2_W2, m2_b2))
    ge2 = jnp.sum(ne2, axis=0)
    o2 = act(_lin(ge2, g2_W, g2_b))

    s = o0 + o1 + o2
    olast = act(_lin(s, gl_W, gl_b))
    out = ne2 + olast[None, :]
    return out

if __name__ == "__main__":
    import jax
    _d = setup_inputs()
    print(jax.jit(kernel)(*tuple(_d.values())))

</pallas_src>

<mosaic_0001>
#map = affine_map<(d0, d1) -> (0, 0)>
#map1 = affine_map<(d0, d1) -> (0)>
#map2 = affine_map<(d0, d1) -> (0, 0, 0)>
module attributes {stable_mosaic.version = 14 : i64} {
  func.func @seg_sum(%arg0: i32, %arg1: i32, %arg2: memref<10000x128xf32, #tpu.memory_space<hbm>>, %arg3: memref<327680xi32, #tpu.memory_space<hbm>>, %arg4: memref<327680xi32, #tpu.memory_space<hbm>>, %arg5: memref<2x10240x128xf32, #tpu.memory_space<hbm>>, %arg6: memref<128xi32, #tpu.memory_space<vmem>>, %arg7: memref<128xi32, #tpu.memory_space<vmem>>, %arg8: memref<128xi32, #tpu.memory_space<vmem>>, %arg9: memref<128xi32, #tpu.memory_space<vmem>>, %arg10: memref<128x128xf32, #tpu.memory_space<vmem>>, %arg11: memref<128x128xf32, #tpu.memory_space<vmem>>, %arg12: memref<64x128xf32, #tpu.memory_space<vmem>>, %arg13: memref<10240x128xf32, #tpu.memory_space<vmem_shared>>, %arg14: memref<!tpu.dma_semaphore, #tpu.memory_space<semaphore_mem>>, %arg15: memref<!tpu.dma_semaphore, #tpu.memory_space<semaphore_mem>>, %arg16: memref<!tpu.dma_semaphore, #tpu.memory_space<semaphore_mem>>, %arg17: memref<!tpu.dma_semaphore, #tpu.memory_space<semaphore_mem>>) attributes {dimension_semantics = [#tpu.dimension_semantics<core_parallel>, #tpu.dimension_semantics<subcore_parallel>], iteration_bounds = array<i64: 2, 16>, scalar_prefetch = 0 : i64, scratch_operands = 12 : i64, tpu.core_type = #tpu.core_type<sc_vector_subcore>, window_params = [{transform_indices = #map}, {transform_indices = #map1}, {transform_indices = #map1}, {transform_indices = #map2}]} {
    %mul3A = arith.constant 2 : i32
    %mul3A_0 = arith.muli %arg1, %mul3A : i32
    %add3A = arith.addi %mul3A_0, %arg0 : i32
    %mul3A_1 = arith.constant 80 : i32
    %mul3A_2 = arith.muli %add3A, %mul3A_1 : i32
    %mul3A_3 = arith.constant 128 : i32
    %mul3A_4 = arith.muli %mul3A_2, %mul3A_3 : i32
    %add3A_5 = arith.constant 0 : i32
    %add3A_6 = arith.addi %mul3A_4, %add3A_5 : i32
    %multiple_of3A = tpu.assume_multiple %add3A_6, 8 : i32
    %dma_start3A = tpu.memref_slice %arg3[%multiple_of3A] : memref<327680xi32, #tpu.memory_space<hbm>> -> memref<128xi32, #tpu.memory_space<hbm>>
    %dma_start3A_7 = tpu.memref_slice %arg3[%multiple_of3A] : memref<327680xi32, #tpu.memory_space<hbm>> -> memref<128xi32, #tpu.memory_space<hbm>>
    tpu.enqueue_dma source(%dma_start3A_7 : memref<128xi32, #tpu.memory_space<hbm>>) target(%arg6 : memref<128xi32, #tpu.memory_space<vmem>>) target_semaphore(%arg14 : memref<!tpu.dma_semaphore, #tpu.memory_space<semaphore_mem>>)
    %dma_start3A_8 = tpu.memref_slice %arg4[%multiple_of3A] : memref<327680xi32, #tpu.memory_space<hbm>> -> memref<128xi32, #tpu.memory_space<hbm>>
    %dma_start3A_9 = tpu.memref_slice %arg4[%multiple_of3A] : memref<327680xi32, #tpu.memory_space<hbm>> -> memref<128xi32, #tpu.memory_space<hbm>>
    tpu.enqueue_dma source(%dma_start3A_9 : memref<128xi32, #tpu.memory_space<hbm>>) target(%arg8 : memref<128xi32, #tpu.memory_space<vmem>>) target_semaphore(%arg14 : memref<!tpu.dma_semaphore, #tpu.memory_space<semaphore_mem>>)
    %add3A_10 = arith.constant 128 : i32
    %add3A_11 = arith.addi %mul3A_4, %add3A_10 : i32
    %multiple_of3A_12 = tpu.assume_multiple %add3A_11, 8 : i32
    %dma_start3A_13 = tpu.memref_slice %arg3[%multiple_of3A_12] : memref<327680xi32, #tpu.memory_space<hbm>> -> memref<128xi32, #tpu.memory_space<hbm>>
    %dma_start3A_14 = tpu.memref_slice %arg3[%multiple_of3A_12] : memref<327680xi32, #tpu.memory_space<hbm>> -> memref<128xi32, #tpu.memory_space<hbm>>
    tpu.enqueue_dma source(%dma_start3A_14 : memref<128xi32, #tpu.memory_space<hbm>>) target(%arg7 : memref<128xi32, #tpu.memory_space<vmem>>) target_semaphore(%arg15 : memref<!tpu.dma_semaphore, #tpu.memory_space<semaphore_mem>>)
    %dma_start3A_15 = tpu.memref_slice %arg4[%multiple_of3A_12] : memref<327680xi32, #tpu.memory_space<hbm>> -> memref<128xi32, #tpu.memory_space<hbm>>
    %dma_start3A_16 = tpu.memref_slice %arg4[%multiple_of3A_12] : memref<327680xi32, #tpu.memory_space<hbm>> -> memref<128xi32, #tpu.memory_space<hbm>>
    tpu.enqueue_dma source(%dma_start3A_16 : memref<128xi32, #tpu.memory_space<hbm>>) target(%arg9 : memref<128xi32, #tpu.memory_space<vmem>>) target_semaphore(%arg15 : memref<!tpu.dma_semaphore, #tpu.memory_space<semaphore_mem>>)
    %scan3A = arith.constant 0 : i32
    %scan3A_17 = arith.constant 0 : i32
    %scan3A_18 = arith.constant 64 : i32
    %scan3A_19 = arith.addi %scan3A_17, %scan3A_18 : i32
    %scan3A_20 = arith.constant 1 : i32
    %scan3A_21 = scf.for %scan3A_57 = %scan3A_17 to %scan3A_19 step %scan3A_20 iter_args(%scan3A_58 = %scan3A) -> (i32)  : i32 {
      %scan3A_59 = arith.constant 0 : i32
      %scan3A_60 = arith.constant 0 : i32
      %scan3A_61 = arith.constant 8 : i32
      %scan3A_62 = arith.addi %scan3A_60, %scan3A_61 : i32
      %scan3A_63 = arith.constant 1 : i32
      %scan3A_64 = scf.for %scan3A_66 = %scan3A_60 to %scan3A_62 step %scan3A_63 iter_args(%scan3A_67 = %scan3A_59) -> (i32)  : i32 {
        %broadcast_in_dim3A = arith.constant 0.000000e+00 : f32
        %broadcast_in_dim3A_68 = vector.broadcast %broadcast_in_dim3A : f32 to vector<16xf32>
        %mul3A_69 = arith.constant 16 : i32
        %mul3A_70 = arith.muli %scan3A_66, %mul3A_69 : i32
        %swap3A = arith.index_cast %scan3A_57 : i32 to index
        %swap3A_71 = arith.index_cast %mul3A_70 : i32 to index
        %swap3A_72 = tpu.vector_load %arg12[%swap3A, %swap3A_71] {strides = array<i32>} : memref<64x128xf32, #tpu.memory_space<vmem>>, vector<1x16xf32>,
        %swap3A_73 = vector.shape_cast %swap3A_72 : vector<1x16xf32> to vector<16xf32>
        %swap3A_74 = vector.shape_cast %broadcast_in_dim3A_68 : vector<16xf32> to vector<1x16xf32>
        tpu.vector_store %arg12[%swap3A, %swap3A_71], %swap3A_74 {strides = array<i32>} : memref<64x128xf32, #tpu.memory_space<vmem>>, vector<1x16xf32>,
        %scan3A_75 = arith.constant 0 : i32
        scf.yield %scan3A_75 : i32
      }
      %scan3A_65 = arith.constant 8 : i32
      scf.yield %scan3A_64 : i32
    }
    %scan3A_22 = arith.constant 64 : i32
    %mul3A_23 = arith.constant 640 : i32
    %mul3A_24 = arith.muli %arg1, %mul3A_23 : i32
    %scan3A_25 = arith.constant 0 : i32
    %scan3A_26 = arith.constant 0 : i32
    %scan3A_27 = arith.constant 10 : i32
    %scan3A_28 = arith.addi %scan3A_26, %scan3A_27 : i32
    %scan3A_29 = arith.constant 1 : i32
    %scan3A_30 = scf.for %scan3A_57 = %scan3A_26 to %scan3A_28 step %scan3A_29 iter_args(%scan3A_58 = %scan3A_25) -> (i32)  : i32 {
      %mul3A_59 = arith.constant 64 : i32
      %mul3A_60 = arith.muli %scan3A_57, %mul3A_59 : i32
      %add3A_61 = arith.addi %mul3A_24, %mul3A_60 : i32
      "tpu.region"() ({
        %run_scoped3A = tpu.sem_alloc : memref<!tpu.dma_semaphore, #tpu.memory_space<semaphore_mem>>
        %dma_start3A_63 = arith.constant 0 : i32
        %dma_start3A_64 = tpu.memref_slice %arg13[%add3A_61, %dma_start3A_63] : memref<10240x128xf32, #tpu.memory_space<vmem_shared>> -> memref<64x128xf32, #tpu.memory_space<vmem_shared>>
        %dma_start3A_65 = arith.constant 0 : i32
        %dma_start3A_66 = tpu.memref_slice %arg13[%add3A_61, %dma_start3A_65] : memref<10240x128xf32, #tpu.memory_space<vmem_shared>> -> memref<64x128xf32, #tpu.memory_space<vmem_shared>>
        tpu.enqueue_dma source(%arg12 : memref<64x128xf32, #tpu.memory_space<vmem>>) target(%dma_start3A_66 : memref<64x128xf32, #tpu.memory_space<vmem_shared>>) target_semaphore(%run_scoped3A : memref<!tpu.dma_semaphore, #tpu.memory_space<semaphore_mem>>)
        %dma_wait3A_67 = arith.constant 0 : i32
        %dma_wait3A_68 = tpu.memref_slice %arg13[%add3A_61, %dma_wait3A_67] : memref<10240x128xf32, #tpu.memory_space<vmem_shared>> -> memref<64x128xf32, #tpu.memory_space<vmem_shared>>
        %dma_wait3A_69 = arith.constant 0 : i32
        %dma_wait3A_70 = tpu.memref_slice %arg13[%add3A_61, %dma_wait3A_69] : memref<10240x128xf32, #tpu.memory_space<vmem_shared>> -> memref<64x128xf32, #tpu.memory_space<vmem_shared>>
        tpu.wait_dma2 semaphore(%run_scoped3A : memref<!tpu.dma_semaphore, #tpu.memory_space<semaphore_mem>>) src(%arg12 : memref<64x128xf32, #tpu.memory_space<vmem>>) dst(%dma_wait3A_70 : memref<64x128xf32, #tpu.memory_space<vmem_shared>>)
        tpu.yield
      }) : () -> ()
      %scan3A_62 = arith.constant 0 : i32
      scf.yield %scan3A_62 : i32
    }
    %scan3A_31 = arith.constant 10 : i32
    %dma_wait3A = arith.constant 0 : i32
    %dma_wait3A_32 = tpu.memref_slice %arg3[%dma_wait3A] : memref<327680xi32, #tpu.memory_space<hbm>> -> memref<128xi32, #tpu.memory_space<hbm>>
    %dma_wait3A_33 = arith.constant 0 : i32
    %dma_wait3A_34 = tpu.memref_slice %arg3[%dma_wait3A_33] : memref<327680xi32, #tpu.memory_space<hbm>> -> memref<128xi32, #tpu.memory_space<hbm>>
    tpu.wait_dma2 semaphore(%arg14 : memref<!tpu.dma_semaphore, #tpu.memory_space<semaphore_mem>>) src(%dma_wait3A_34 : memref<128xi32, #tpu.memory_space<hbm>>) dst(%arg6 : memref<128xi32, #tpu.memory_space<vmem>>)
    %dma_wait3A_35 = arith.constant 0 : i32
    %dma_wait3A_36 = tpu.memref_slice %arg4[%dma_wait3A_35] : memref<327680xi32, #tpu.memory_space<hbm>> -> memref<128xi32, #tpu.memory_space<hbm>>
    %dma_wait3A_37 = arith.constant 0 : i32
    %dma_wait3A_38 = tpu.memref_slice %arg4[%dma_wait3A_37] : memref<327680xi32, #tpu.memory_space<hbm>> -> memref<128xi32, #tpu.memory_space<hbm>>
    tpu.wait_dma2 semaphore(%arg14 : memref<!tpu.dma_semaphore, #tpu.memory_space<semaphore_mem>>) src(%dma_wait3A_38 : memref<128xi32, #tpu.memory_space<hbm>>) dst(%arg8 : memref<128xi32, #tpu.memory_space<vmem>>)
    %barrier3A = arith.constant 0 : index
    tpu.barrier barrier_id(%barrier3A)
    %dma_start3A_39 = arith.constant 0 : i32
    %dma_start3A_40 = arith.constant 0 : i32
    %dma_start3A_41 = tpu.memref_slice %arg2[%dma_start3A_39, %dma_start3A_40] : memref<10000x128xf32, #tpu.memory_space<hbm>> -> memref<10000x128xf32, #tpu.memory_space<hbm>>
    tpu.enqueue_indirect_dma source(%dma_start3A_41 : memref<10000x128xf32, #tpu.memory_space<hbm>>) target(%arg10 : memref<128x128xf32, #tpu.memory_space<vmem>>) offsets(%arg6 : memref<128xi32, #tpu.memory_space<vmem>>) semaphore(%arg16 : memref<!tpu.dma_semaphore, #tpu.memory_space<semaphore_mem>>)
    %scan3A_42 = arith.constant 0 : i32
    %scan3A_43 = arith.constant 0 : i32
    %scan3A_44 = arith.constant 40 : i32
    %scan3A_45 = arith.addi %scan3A_43, %scan3A_44 : i32
    %scan3A_46 = arith.constant 1 : i32
    %scan3A_47 = scf.for %scan3A_57 = %scan3A_43 to %scan3A_45 step %scan3A_46 iter_args(%scan3A_58 = %scan3A_42) -> (i32)  : i32 {
      %mul3A_59 = arith.constant 2 : i32
      %mul3A_60 = arith.muli %scan3A_57, %mul3A_59 : i32
      %add3A_61 = arith.constant 0 : i32
      %add3A_62 = arith.addi %mul3A_60, %add3A_61 : i32
      %dma_wait3A_63 = arith.constant 0 : i32
      %dma_wait3A_64 = arith.constant 0 : i32
      %dma_wait3A_65 = tpu.memref_slice %arg2[%dma_wait3A_63, %dma_wait3A_64] : memref<10000x128xf32, #tpu.memory_space<hbm>> -> memref<10000x128xf32, #tpu.memory_space<hbm>>
      tpu.wait_indirect_dma semaphore(%arg16 : memref<!tpu.dma_semaphore, #tpu.memory_space<semaphore_mem>>) src(%dma_wait3A_65 : memref<10000x128xf32, #tpu.memory_space<hbm>>) dst(%arg10 : memref<128x128xf32, #tpu.memory_space<vmem>>)
      %add3A_66 = arith.constant 1 : i32
      %add3A_67 = arith.addi %add3A_62, %add3A_66 : i32
      %lt3A = arith.constant 80 : i32
      %lt3A_68 = arith.cmpi slt, %add3A_67, %lt3A : i32
      %convert_element_type3A = arith.extui %lt3A_68 : i1 to i32
      %cond3A = arith.constant 0 : i32
      %cond3A_69 = arith.cmpi ne, %convert_element_type3A, %cond3A : i32
      scf.if %cond3A_69 {
        %dma_wait3A_99 = arith.constant 0 : i32
        %dma_wait3A_100 = tpu.memref_slice %arg3[%dma_wait3A_99] : memref<327680xi32, #tpu.memory_space<hbm>> -> memref<128xi32, #tpu.memory_space<hbm>>
        %dma_wait3A_101 = arith.constant 0 : i32
        %dma_wait3A_102 = tpu.memref_slice %arg3[%dma_wait3A_101] : memref<327680xi32, #tpu.memory_space<hbm>> -> memref<128xi32, #tpu.memory_space<hbm>>
        tpu.wait_dma2 semaphore(%arg15 : memref<!tpu.dma_semaphore, #tpu.memory_space<semaphore_mem>>) src(%dma_wait3A_102 : memref<128xi32, #tpu.memory_space<hbm>>) dst(%arg7 : memref<128xi32, #tpu.memory_space<vmem>>)
        %dma_wait3A_103 = arith.constant 0 : i32
        %dma_wait3A_104 = tpu.memref_slice %arg4[%dma_wait3A_103] : memref<327680xi32, #tpu.memory_space<hbm>> -> memref<128xi32, #tpu.memory_space<hbm>>
        %dma_wait3A_105 = arith.constant 0 : i32
        %dma_wait3A_106 = tpu.memref_slice %arg4[%dma_wait3A_105] : memref<327680xi32, #tpu.memory_space<hbm>> -> memref<128xi32, #tpu.memory_space<hbm>>
        tpu.wait_dma2 semaphore(%arg15 : memref<!tpu.dma_semaphore, #tpu.memory_space<semaphore_mem>>) src(%dma_wait3A_106 : memref<128xi32, #tpu.memory_space<hbm>>) dst(%arg9 : memref<128xi32, #tpu.memory_space<vmem>>)
        %dma_start3A_107 = arith.constant 0 : i32
        %dma_start3A_108 = arith.constant 0 : i32
        %dma_start3A_109 = tpu.memref_slice %arg2[%dma_start3A_107, %dma_start3A_108] : memref<10000x128xf32, #tpu.memory_space<hbm>> -> memref<10000x128xf32, #tpu.memory_space<hbm>>
        tpu.enqueue_indirect_dma source(%dma_start3A_109 : memref<10000x128xf32, #tpu.memory_space<hbm>>) target(%arg11 : memref<128x128xf32, #tpu.memory_space<vmem>>) offsets(%arg7 : memref<128xi32, #tpu.memory_space<vmem>>) semaphore(%arg17 : memref<!tpu.dma_semaphore, #tpu.memory_space<semaphore_mem>>)
      } else {
      }
      "tpu.region"() ({
        %run_scoped3A = tpu.sem_alloc : memref<!tpu.dma_semaphore, #tpu.memory_space<semaphore_mem>>
        %dma_start3A_99 = arith.constant 0 : i32
        %dma_start3A_100 = arith.constant 0 : i32
        %dma_start3A_101 = tpu.memref_slice %arg13[%dma_start3A_99, %dma_start3A_100] : memref<10240x128xf32, #tpu.memory_space<vmem_shared>> -> memref<10240x128xf32, #tpu.memory_space<vmem_shared>>
        tpu.enqueue_indirect_dma source(%arg10 : memref<128x128xf32, #tpu.memory_space<vmem>>) target(%dma_start3A_101 : memref<10240x128xf32, #tpu.memory_space<vmem_shared>>) offsets(%arg8 : memref<128xi32, #tpu.memory_space<vmem>>) semaphore(%run_scoped3A : memref<!tpu.dma_semaphore, #tpu.memory_space<semaphore_mem>>) {add = true}
        %dma_wait3A_102 = arith.constant 0 : i32
        %dma_wait3A_103 = arith.constant 0 : i32
        %dma_wait3A_104 = tpu.memref_slice %arg13[%dma_wait3A_102, %dma_wait3A_103] : memref<10240x128xf32, #tpu.memory_space<vmem_shared>> -> memref<10240x128xf32, #tpu.memory_space<vmem_shared>>
        tpu.wait_indirect_dma semaphore(%run_scoped3A : memref<!tpu.dma_semaphore, #tpu.memory_space<semaphore_mem>>) src(%arg10 : memref<128x128xf32, #tpu.memory_space<vmem>>) dst(%dma_wait3A_104 : memref<10240x128xf32, #tpu.memory_space<vmem_shared>>)
        tpu.yield
      }) : () -> ()
      %add3A_70 = arith.constant 2 : i32
      %add3A_71 = arith.addi %add3A_62, %add3A_70 : i32
      %lt3A_72 = arith.constant 80 : i32
      %lt3A_73 = arith.cmpi slt, %add3A_71, %lt3A_72 : i32
      %convert_element_type3A_74 = arith.extui %lt3A_73 : i1 to i32
      %cond3A_75 = arith.constant 0 : i32
      %cond3A_76 = arith.cmpi ne, %convert_element_type3A_74, %cond3A_75 : i32
      scf.if %cond3A_76 {
        %add3A_99 = arith.constant 2 : i32
        %add3A_100 = arith.addi %add3A_62, %add3A_99 : i32
        %mul3A_101 = arith.constant 128 : i32
        %mul3A_102 = arith.muli %add3A_100, %mul3A_101 : i32
        %add3A_103 = arith.addi %mul3A_4, %mul3A_102 : i32
        %multiple_of3A_104 = tpu.assume_multiple %add3A_103, 8 : i32
        %dma_start3A_105 = tpu.memref_slice %arg3[%multiple_of3A_104] : memref<327680xi32, #tpu.memory_space<hbm>> -> memref<128xi32, #tpu.memory_space<hbm>>
        %dma_start3A_106 = tpu.memref_slice %arg3[%multiple_of3A_104] : memref<327680xi32, #tpu.memory_space<hbm>> -> memref<128xi32, #tpu.memory_space<hbm>>
        tpu.enqueue_dma source(%dma_start3A_106 : memref<128xi32, #tpu.memory_space<hbm>>) target(%arg6 : memref<128xi32, #tpu.memory_space<vmem>>) target_semaphore(%arg14 : memref<!tpu.dma_semaphore, #tpu.memory_space<semaphore_mem>>)
        %dma_start3A_107 = tpu.memref_slice %arg4[%multiple_of3A_104] : memref<327680xi32, #tpu.memory_space<hbm>> -> memref<128xi32, #tpu.memory_space<hbm>>
        %dma_start3A_108 = tpu.memref_slice %arg4[%multiple_of3A_104] : memref<327680xi32, #tpu.memory_space<hbm>> -> memref<128xi32, #tpu.memory_space<hbm>>
        tpu.enqueue_dma source(%dma_start3A_108 : memref<128xi32, #tpu.memory_space<hbm>>) target(%arg8 : memref<128xi32, #tpu.memory_space<vmem>>) target_semaphore(%arg14 : memref<!tpu.dma_semaphore, #tpu.memory_space<semaphore_mem>>)
      } else {
      }
      %mul3A_77 = arith.constant 2 : i32
      %mul3A_78 = arith.muli %scan3A_57, %mul3A_77 : i32
      %add3A_79 = arith.constant 1 : i32
      %add3A_80 = arith.addi %mul3A_78, %add3A_79 : i32
      %dma_wait3A_81 = arith.constant 0 : i32
      %dma_wait3A_82 = arith.constant 0 : i32
      %dma_wait3A_83 = tpu.memref_slice %arg2[%dma_wait3A_81, %dma_wait3A_82] : memref<10000x128xf32, #tpu.memory_space<hbm>> -> memref<10000x128xf32, #tpu.memory_space<hbm>>
      tpu.wait_indirect_dma semaphore(%arg17 : memref<!tpu.dma_semaphore, #tpu.memory_space<semaphore_mem>>) src(%dma_wait3A_83 : memref<10000x128xf32, #tpu.memory_space<hbm>>) dst(%arg11 : memref<128x128xf32, #tpu.memory_space<vmem>>)
      %add3A_84 = arith.constant 1 : i32
      %add3A_85 = arith.addi %add3A_80, %add3A_84 : i32
      %lt3A_86 = arith.constant 80 : i32
      %lt3A_87 = arith.cmpi slt, %add3A_85, %lt3A_86 : i32
      %convert_element_type3A_88 = arith.extui %lt3A_87 : i1 to i32
      %cond3A_89 = arith.constant 0 : i32
      %cond3A_90 = arith.cmpi ne, %convert_element_type3A_88, %cond3A_89 : i32
      scf.if %cond3A_90 {
        %dma_wait3A_99 = arith.constant 0 : i32
        %dma_wait3A_100 = tpu.memref_slice %arg3[%dma_wait3A_99] : memref<327680xi32, #tpu.memory_space<hbm>> -> memref<128xi32, #tpu.memory_space<hbm>>
        %dma_wait3A_101 = arith.constant 0 : i32
        %dma_wait3A_102 = tpu.memref_slice %arg3[%dma_wait3A_101] : memref<327680xi32, #tpu.memory_space<hbm>> -> memref<128xi32, #tpu.memory_space<hbm>>
        tpu.wait_dma2 semaphore(%arg14 : memref<!tpu.dma_semaphore, #tpu.memory_space<semaphore_mem>>) src(%dma_wait3A_102 : memref<128xi32, #tpu.memory_space<hbm>>) dst(%arg6 : memref<128xi32, #tpu.memory_space<vmem>>)
        %dma_wait3A_103 = arith.constant 0 : i32
        %dma_wait3A_104 = tpu.memref_slice %arg4[%dma_wait3A_103] : memref<327680xi32, #tpu.memory_space<hbm>> -> memref<128xi32, #tpu.memory_space<hbm>>
        %dma_wait3A_105 = arith.constant 0 : i32
        %dma_wait3A_106 = tpu.memref_slice %arg4[%dma_wait3A_105] : memref<327680xi32, #tpu.memory_space<hbm>> -> memref<128xi32, #tpu.memory_space<hbm>>
        tpu.wait_dma2 semaphore(%arg14 : memref<!tpu.dma_semaphore, #tpu.memory_space<semaphore_mem>>) src(%dma_wait3A_106 : memref<128xi32, #tpu.memory_space<hbm>>) dst(%arg8 : memref<128xi32, #tpu.memory_space<vmem>>)
        %dma_start3A_107 = arith.constant 0 : i32
        %dma_start3A_108 = arith.constant 0 : i32
        %dma_start3A_109 = tpu.memref_slice %arg2[%dma_start3A_107, %dma_start3A_108] : memref<10000x128xf32, #tpu.memory_space<hbm>> -> memref<10000x128xf32, #tpu.memory_space<hbm>>
        tpu.enqueue_indirect_dma source(%dma_start3A_109 : memref<10000x128xf32, #tpu.memory_space<hbm>>) target(%arg10 : memref<128x128xf32, #tpu.memory_space<vmem>>) offsets(%arg6 : memref<128xi32, #tpu.memory_space<vmem>>) semaphore(%arg16 : memref<!tpu.dma_semaphore, #tpu.memory_space<semaphore_mem>>)
      } else {
      }
      "tpu.region"() ({
        %run_scoped3A = tpu.sem_alloc : memref<!tpu.dma_semaphore, #tpu.memory_space<semaphore_mem>>
        %dma_start3A_99 = arith.constant 0 : i32
        %dma_start3A_100 = arith.constant 0 : i32
        %dma_start3A_101 = tpu.memref_slice %arg13[%dma_start3A_99, %dma_start3A_100] : memref<10240x128xf32, #tpu.memory_space<vmem_shared>> -> memref<10240x128xf32, #tpu.memory_space<vmem_shared>>
        tpu.enqueue_indirect_dma source(%arg11 : memref<128x128xf32, #tpu.memory_space<vmem>>) target(%dma_start3A_101 : memref<10240x128xf32, #tpu.memory_space<vmem_shared>>) offsets(%arg9 : memref<128xi32, #tpu.memory_space<vmem>>) semaphore(%run_scoped3A : memref<!tpu.dma_semaphore, #tpu.memory_space<semaphore_mem>>) {add = true}
        %dma_wait3A_102 = arith.constant 0 : i32
        %dma_wait3A_103 = arith.constant 0 : i32
        %dma_wait3A_104 = tpu.memref_slice %arg13[%dma_wait3A_102, %dma_wait3A_103] : memref<10240x128xf32, #tpu.memory_space<vmem_shared>> -> memref<10240x128xf32, #tpu.memory_space<vmem_shared>>
        tpu.wait_indirect_dma semaphore(%run_scoped3A : memref<!tpu.dma_semaphore, #tpu.memory_space<semaphore_mem>>) src(%arg11 : memref<128x128xf32, #tpu.memory_space<vmem>>) dst(%dma_wait3A_104 : memref<10240x128xf32, #tpu.memory_space<vmem_shared>>)
        tpu.yield
      }) : () -> ()
      %add3A_91 = arith.constant 2 : i32
      %add3A_92 = arith.addi %add3A_80, %add3A_91 : i32
      %lt3A_93 = arith.constant 80 : i32
      %lt3A_94 = arith.cmpi slt, %add3A_92, %lt3A_93 : i32
      %convert_element_type3A_95 = arith.extui %lt3A_94 : i1 to i32
      %cond3A_96 = arith.constant 0 : i32
      %cond3A_97 = arith.cmpi ne, %convert_element_type3A_95, %cond3A_96 : i32
      scf.if %cond3A_97 {
        %add3A_99 = arith.constant 2 : i32
        %add3A_100 = arith.addi %add3A_80, %add3A_99 : i32
        %mul3A_101 = arith.constant 128 : i32
        %mul3A_102 = arith.muli %add3A_100, %mul3A_101 : i32
        %add3A_103 = arith.addi %mul3A_4, %mul3A_102 : i32
        %multiple_of3A_104 = tpu.assume_multiple %add3A_103, 8 : i32
        %dma_start3A_105 = tpu.memref_slice %arg3[%multiple_of3A_104] : memref<327680xi32, #tpu.memory_space<hbm>> -> memref<128xi32, #tpu.memory_space<hbm>>
        %dma_start3A_106 = tpu.memref_slice %arg3[%multiple_of3A_104] : memref<327680xi32, #tpu.memory_space<hbm>> -> memref<128xi32, #tpu.memory_space<hbm>>
        tpu.enqueue_dma source(%dma_start3A_106 : memref<128xi32, #tpu.memory_space<hbm>>) target(%arg7 : memref<128xi32, #tpu.memory_space<vmem>>) target_semaphore(%arg15 : memref<!tpu.dma_semaphore, #tpu.memory_space<semaphore_mem>>)
        %dma_start3A_107 = tpu.memref_slice %arg4[%multiple_of3A_104] : memref<327680xi32, #tpu.memory_space<hbm>> -> memref<128xi32, #tpu.memory_space<hbm>>
        %dma_start3A_108 = tpu.memref_slice %arg4[%multiple_of3A_104] : memref<327680xi32, #tpu.memory_space<hbm>> -> memref<128xi32, #tpu.memory_space<hbm>>
        tpu.enqueue_dma source(%dma_start3A_108 : memref<128xi32, #tpu.memory_space<hbm>>) target(%arg9 : memref<128xi32, #tpu.memory_space<vmem>>) target_semaphore(%arg15 : memref<!tpu.dma_semaphore, #tpu.memory_space<semaphore_mem>>)
      } else {
      }
      %scan3A_98 = arith.constant 0 : i32
      scf.yield %scan3A_98 : i32
    }
    %scan3A_48 = arith.constant 40 : i32
    %barrier3A_49 = arith.constant 0 : index
    tpu.barrier barrier_id(%barrier3A_49)
    %scan3A_50 = arith.constant 0 : i32
    %scan3A_51 = arith.constant 0 : i32
    %scan3A_52 = arith.constant 10 : i32
    %scan3A_53 = arith.addi %scan3A_51, %scan3A_52 : i32
    %scan3A_54 = arith.constant 1 : i32
    %scan3A_55 = scf.for %scan3A_57 = %scan3A_51 to %scan3A_53 step %scan3A_54 iter_args(%scan3A_58 = %scan3A_50) -> (i32)  : i32 {
      %mul3A_59 = arith.constant 64 : i32
      %mul3A_60 = arith.muli %scan3A_57, %mul3A_59 : i32
      %add3A_61 = arith.addi %mul3A_24, %mul3A_60 : i32
      "tpu.region"() ({
        %run_scoped3A = tpu.sem_alloc : memref<!tpu.dma_semaphore, #tpu.memory_space<semaphore_mem>>
        %dma_start3A_63 = arith.constant 0 : i32
        %dma_start3A_64 = tpu.memref_slice %arg13[%add3A_61, %dma_start3A_63] : memref<10240x128xf32, #tpu.memory_space<vmem_shared>> -> memref<64x128xf32, #tpu.memory_space<vmem_shared>>
        %dma_start3A_65 = arith.constant 0 : i32
        %dma_start3A_66 = tpu.memref_slice %arg13[%add3A_61, %dma_start3A_65] : memref<10240x128xf32, #tpu.memory_space<vmem_shared>> -> memref<64x128xf32, #tpu.memory_space<vmem_shared>>
        tpu.enqueue_dma source(%dma_start3A_66 : memref<64x128xf32, #tpu.memory_space<vmem_shared>>) target(%arg12 : memref<64x128xf32, #tpu.memory_space<vmem>>) target_semaphore(%run_scoped3A : memref<!tpu.dma_semaphore, #tpu.memory_space<semaphore_mem>>)
        %dma_wait3A_67 = arith.constant 0 : i32
        %dma_wait3A_68 = tpu.memref_slice %arg13[%add3A_61, %dma_wait3A_67] : memref<10240x128xf32, #tpu.memory_space<vmem_shared>> -> memref<64x128xf32, #tpu.memory_space<vmem_shared>>
        %dma_wait3A_69 = arith.constant 0 : i32
        %dma_wait3A_70 = tpu.memref_slice %arg13[%add3A_61, %dma_wait3A_69] : memref<10240x128xf32, #tpu.memory_space<vmem_shared>> -> memref<64x128xf32, #tpu.memory_space<vmem_shared>>
        tpu.wait_dma2 semaphore(%run_scoped3A : memref<!tpu.dma_semaphore, #tpu.memory_space<semaphore_mem>>) src(%dma_wait3A_70 : memref<64x128xf32, #tpu.memory_space<vmem_shared>>) dst(%arg12 : memref<64x128xf32, #tpu.memory_space<vmem>>)
        tpu.yield
      }) : () -> ()
      "tpu.region"() ({
        %run_scoped3A = tpu.sem_alloc : memref<!tpu.dma_semaphore, #tpu.memory_space<semaphore_mem>>
        %dma_start3A_63 = arith.constant 0 : i32
        %dma_start3A_64 = arith.constant 0 : i32
        %dma_start3A_65 = tpu.memref_slice %arg5[%arg0, %dma_start3A_63, %dma_start3A_64] : memref<2x10240x128xf32, #tpu.memory_space<hbm>> -> memref<1x10240x128xf32, #tpu.memory_space<hbm>>
        %dma_start3A_66 = tpu.memref_squeeze %dma_start3A_65 : memref<1x10240x128xf32, #tpu.memory_space<hbm>> -> memref<10240x128xf32, #tpu.memory_space<hbm>>
        %dma_start3A_67 = arith.constant 0 : i32
        %dma_start3A_68 = tpu.memref_slice %dma_start3A_66[%add3A_61, %dma_start3A_67] : memref<10240x128xf32, #tpu.memory_space<hbm>> -> memref<64x128xf32, #tpu.memory_space<hbm>>
        %dma_start3A_69 = arith.constant 0 : i32
        %dma_start3A_70 = arith.constant 0 : i32
        %dma_start3A_71 = tpu.memref_slice %arg5[%arg0, %dma_start3A_69, %dma_start3A_70] : memref<2x10240x128xf32, #tpu.memory_space<hbm>> -> memref<1x10240x128xf32, #tpu.memory_space<hbm>>
        %dma_start3A_72 = tpu.memref_squeeze %dma_start3A_71 : memref<1x10240x128xf32, #tpu.memory_space<hbm>> -> memref<10240x128xf32, #tpu.memory_space<hbm>>
        %dma_start3A_73 = arith.constant 0 : i32
        %dma_start3A_74 = tpu.memref_slice %dma_start3A_72[%add3A_61, %dma_start3A_73] : memref<10240x128xf32, #tpu.memory_space<hbm>> -> memref<64x128xf32, #tpu.memory_space<hbm>>
        tpu.enqueue_dma source(%arg12 : memref<64x128xf32, #tpu.memory_space<vmem>>) target(%dma_start3A_74 : memref<64x128xf32, #tpu.memory_space<hbm>>) target_semaphore(%run_scoped3A : memref<!tpu.dma_semaphore, #tpu.memory_space<semaphore_mem>>)
        %dma_wait3A_75 = arith.constant 0 : i32
        %dma_wait3A_76 = arith.constant 0 : i32
        %dma_wait3A_77 = tpu.memref_slice %arg5[%arg0, %dma_wait3A_75, %dma_wait3A_76] : memref<2x10240x128xf32, #tpu.memory_space<hbm>> -> memref<1x10240x128xf32, #tpu.memory_space<hbm>>
        %dma_wait3A_78 = tpu.memref_squeeze %dma_wait3A_77 : memref<1x10240x128xf32, #tpu.memory_space<hbm>> -> memref<10240x128xf32, #tpu.memory_space<hbm>>
        %dma_wait3A_79 = arith.constant 0 : i32
        %dma_wait3A_80 = tpu.memref_slice %dma_wait3A_78[%add3A_61, %dma_wait3A_79] : memref<10240x128xf32, #tpu.memory_space<hbm>> -> memref<64x128xf32, #tpu.memory_space<hbm>>
        %dma_wait3A_81 = arith.constant 0 : i32
        %dma_wait3A_82 = arith.constant 0 : i32
        %dma_wait3A_83 = tpu.memref_slice %arg5[%arg0, %dma_wait3A_81, %dma_wait3A_82] : memref<2x10240x128xf32, #tpu.memory_space<hbm>> -> memref<1x10240x128xf32, #tpu.memory_space<hbm>>
        %dma_wait3A_84 = tpu.memref_squeeze %dma_wait3A_83 : memref<1x10240x128xf32, #tpu.memory_space<hbm>> -> memref<10240x128xf32, #tpu.memory_space<hbm>>
        %dma_wait3A_85 = arith.constant 0 : i32
        %dma_wait3A_86 = tpu.memref_slice %dma_wait3A_84[%add3A_61, %dma_wait3A_85] : memref<10240x128xf32, #tpu.memory_space<hbm>> -> memref<64x128xf32, #tpu.memory_space<hbm>>
        tpu.wait_dma2 semaphore(%run_scoped3A : memref<!tpu.dma_semaphore, #tpu.memory_space<semaphore_mem>>) src(%arg12 : memref<64x128xf32, #tpu.memory_space<vmem>>) dst(%dma_wait3A_86 : memref<64x128xf32, #tpu.memory_space<hbm>>)
        tpu.yield
      }) : () -> ()
      %scan3A_62 = arith.constant 0 : i32
      scf.yield %scan3A_62 : i32
    }
    %scan3A_56 = arith.constant 10 : i32
    return
  }
}

#map = affine_map<(d0, d1) -> (0, 0)>
#map1 = affine_map<(d0, d1) -> (0)>
#map2 = affine_map<(d0, d1) -> (0, 0, 0)>
module attributes {stable_mosaic.version = 14 : i64} {
  func.func @seg_sum(%arg0: i32, %arg1: i32, %arg2: memref<10000x128xf32, #tpu.memory_space<hbm>>, %arg3: memref<327680xi32, #tpu.memory_space<hbm>>, %arg4: memref<327680xi32, #tpu.memory_space<hbm>>, %arg5: memref<2x10240x128xf32, #tpu.memory_space<hbm>>, %arg6: memref<128xi32, #tpu.memory_space<vmem>>, %arg7: memref<128xi32, #tpu.memory_space<vmem>>, %arg8: memref<128xi32, #tpu.memory_space<vmem>>, %arg9: memref<128xi32, #tpu.memory_space<vmem>>, %arg10: memref<128x128xf32, #tpu.memory_space<vmem>>, %arg11: memref<128x128xf32, #tpu.memory_space<vmem>>, %arg12: memref<64x128xf32, #tpu.memory_space<vmem>>, %arg13: memref<10240x128xf32, #tpu.memory_space<vmem_shared>>, %arg14: memref<!tpu.dma_semaphore, #tpu.memory_space<semaphore_mem>>, %arg15: memref<!tpu.dma_semaphore, #tpu.memory_space<semaphore_mem>>, %arg16: memref<!tpu.dma_semaphore, #tpu.memory_space<semaphore_mem>>, %arg17: memref<!tpu.dma_semaphore, #tpu.memory_space<semaphore_mem>>) attributes {dimension_semantics = [#tpu.dimension_semantics<core_parallel>, #tpu.dimension_semantics<subcore_parallel>], iteration_bounds = array<i64: 2, 16>, scalar_prefetch = 0 : i64, scratch_operands = 12 : i64, tpu.core_type = #tpu.core_type<sc_vector_subcore>, window_params = [{transform_indices = #map}, {transform_indices = #map1}, {transform_indices = #map1}, {transform_indices = #map2}]} {
    %mul3A = arith.constant 2 : i32
    %mul3A_0 = arith.muli %arg1, %mul3A : i32
    %add3A = arith.addi %mul3A_0, %arg0 : i32
    %mul3A_1 = arith.constant 80 : i32
    %mul3A_2 = arith.muli %add3A, %mul3A_1 : i32
    %mul3A_3 = arith.constant 128 : i32
    %mul3A_4 = arith.muli %mul3A_2, %mul3A_3 : i32
    %add3A_5 = arith.constant 0 : i32
    %add3A_6 = arith.addi %mul3A_4, %add3A_5 : i32
    %multiple_of3A = tpu.assume_multiple %add3A_6, 8 : i32
    %dma_start3A = tpu.memref_slice %arg3[%multiple_of3A] : memref<327680xi32, #tpu.memory_space<hbm>> -> memref<128xi32, #tpu.memory_space<hbm>>
    %dma_start3A_7 = tpu.memref_slice %arg3[%multiple_of3A] : memref<327680xi32, #tpu.memory_space<hbm>> -> memref<128xi32, #tpu.memory_space<hbm>>
    tpu.enqueue_dma source(%dma_start3A_7 : memref<128xi32, #tpu.memory_space<hbm>>) target(%arg6 : memref<128xi32, #tpu.memory_space<vmem>>) target_semaphore(%arg14 : memref<!tpu.dma_semaphore, #tpu.memory_space<semaphore_mem>>)
    %dma_start3A_8 = tpu.memref_slice %arg4[%multiple_of3A] : memref<327680xi32, #tpu.memory_space<hbm>> -> memref<128xi32, #tpu.memory_space<hbm>>
    %dma_start3A_9 = tpu.memref_slice %arg4[%multiple_of3A] : memref<327680xi32, #tpu.memory_space<hbm>> -> memref<128xi32, #tpu.memory_space<hbm>>
    tpu.enqueue_dma source(%dma_start3A_9 : memref<128xi32, #tpu.memory_space<hbm>>) target(%arg8 : memref<128xi32, #tpu.memory_space<vmem>>) target_semaphore(%arg14 : memref<!tpu.dma_semaphore, #tpu.memory_space<semaphore_mem>>)
    %add3A_10 = arith.constant 128 : i32
    %add3A_11 = arith.addi %mul3A_4, %add3A_10 : i32
    %multiple_of3A_12 = tpu.assume_multiple %add3A_11, 8 : i32
    %dma_start3A_13 = tpu.memref_slice %arg3[%multiple_of3A_12] : memref<327680xi32, #tpu.memory_space<hbm>> -> memref<128xi32, #tpu.memory_space<hbm>>
    %dma_start3A_14 = tpu.memref_slice %arg3[%multiple_of3A_12] : memref<327680xi32, #tpu.memory_space<hbm>> -> memref<128xi32, #tpu.memory_space<hbm>>
    tpu.enqueue_dma source(%dma_start3A_14 : memref<128xi32, #tpu.memory_space<hbm>>) target(%arg7 : memref<128xi32, #tpu.memory_space<vmem>>) target_semaphore(%arg15 : memref<!tpu.dma_semaphore, #tpu.memory_space<semaphore_mem>>)
    %dma_start3A_15 = tpu.memref_slice %arg4[%multiple_of3A_12] : memref<327680xi32, #tpu.memory_space<hbm>> -> memref<128xi32, #tpu.memory_space<hbm>>
    %dma_start3A_16 = tpu.memref_slice %arg4[%multiple_of3A_12] : memref<327680xi32, #tpu.memory_space<hbm>> -> memref<128xi32, #tpu.memory_space<hbm>>
    tpu.enqueue_dma source(%dma_start3A_16 : memref<128xi32, #tpu.memory_space<hbm>>) target(%arg9 : memref<128xi32, #tpu.memory_space<vmem>>) target_semaphore(%arg15 : memref<!tpu.dma_semaphore, #tpu.memory_space<semaphore_mem>>)
    %scan3A = arith.constant 0 : i32
    %scan3A_17 = arith.constant 0 : i32
    %scan3A_18 = arith.constant 64 : i32
    %scan3A_19 = arith.addi %scan3A_17, %scan3A_18 : i32
    %scan3A_20 = arith.constant 1 : i32
    %scan3A_21 = scf.for %scan3A_57 = %scan3A_17 to %scan3A_19 step %scan3A_20 iter_args(%scan3A_58 = %scan3A) -> (i32)  : i32 {
      %scan3A_59 = arith.constant 0 : i32
      %scan3A_60 = arith.constant 0 : i32
      %scan3A_61 = arith.constant 8 : i32
      %scan3A_62 = arith.addi %scan3A_60, %scan3A_61 : i32
      %scan3A_63 = arith.constant 1 : i32
      %scan3A_64 = scf.for %scan3A_66 = %scan3A_60 to %scan3A_62 step %scan3A_63 iter_args(%scan3A_67 = %scan3A_59) -> (i32)  : i32 {
        %broadcast_in_dim3A = arith.constant 0.000000e+00 : f32
        %broadcast_in_dim3A_68 = vector.broadcast %broadcast_in_dim3A : f32 to vector<16xf32>
        %mul3A_69 = arith.constant 16 : i32
        %mul3A_70 = arith.muli %scan3A_66, %mul3A_69 : i32
        %swap3A = arith.index_cast %scan3A_57 : i32 to index
        %swap3A_71 = arith.index_cast %mul3A_70 : i32 to index
        %swap3A_72 = tpu.vector_load %arg12[%swap3A, %swap3A_71] {strides = array<i32>} : memref<64x128xf32, #tpu.memory_space<vmem>>, vector<1x16xf32>,
        %swap3A_73 = vector.shape_cast %swap3A_72 : vector<1x16xf32> to vector<16xf32>
        %swap3A_74 = vector.shape_cast %broadcast_in_dim3A_68 : vector<16xf32> to vector<1x16xf32>
        tpu.vector_store %arg12[%swap3A, %swap3A_71], %swap3A_74 {strides = array<i32>} : memref<64x128xf32, #tpu.memory_space<vmem>>, vector<1x16xf32>,
        %scan3A_75 = arith.constant 0 : i32
        scf.yield %scan3A_75 : i32
      }
      %scan3A_65 = arith.constant 8 : i32
      scf.yield %scan3A_64 : i32
    }
    %scan3A_22 = arith.constant 64 : i32
    %mul3A_23 = arith.constant 640 : i32
    %mul3A_24 = arith.muli %arg1, %mul3A_23 : i32
    %scan3A_25 = arith.constant 0 : i32
    %scan3A_26 = arith.constant 0 : i32
    %scan3A_27 = arith.constant 10 : i32
    %scan3A_28 = arith.addi %scan3A_26, %scan3A_27 : i32
    %scan3A_29 = arith.constant 1 : i32
    %scan3A_30 = scf.for %scan3A_57 = %scan3A_26 to %scan3A_28 step %scan3A_29 iter_args(%scan3A_58 = %scan3A_25) -> (i32)  : i32 {
      %mul3A_59 = arith.constant 64 : i32
      %mul3A_60 = arith.muli %scan3A_57, %mul3A_59 : i32
      %add3A_61 = arith.addi %mul3A_24, %mul3A_60 : i32
      "tpu.region"() ({
        %run_scoped3A = tpu.sem_alloc : memref<!tpu.dma_semaphore, #tpu.memory_space<semaphore_mem>>
        %dma_start3A_63 = arith.constant 0 : i32
        %dma_start3A_64 = tpu.memref_slice %arg13[%add3A_61, %dma_start3A_63] : memref<10240x128xf32, #tpu.memory_space<vmem_shared>> -> memref<64x128xf32, #tpu.memory_space<vmem_shared>>
        %dma_start3A_65 = arith.constant 0 : i32
        %dma_start3A_66 = tpu.memref_slice %arg13[%add3A_61, %dma_start3A_65] : memref<10240x128xf32, #tpu.memory_space<vmem_shared>> -> memref<64x128xf32, #tpu.memory_space<vmem_shared>>
        tpu.enqueue_dma source(%arg12 : memref<64x128xf32, #tpu.memory_space<vmem>>) target(%dma_start3A_66 : memref<64x128xf32, #tpu.memory_space<vmem_shared>>) target_semaphore(%run_scoped3A : memref<!tpu.dma_semaphore, #tpu.memory_space<semaphore_mem>>)
        %dma_wait3A_67 = arith.constant 0 : i32
        %dma_wait3A_68 = tpu.memref_slice %arg13[%add3A_61, %dma_wait3A_67] : memref<10240x128xf32, #tpu.memory_space<vmem_shared>> -> memref<64x128xf32, #tpu.memory_space<vmem_shared>>
        %dma_wait3A_69 = arith.constant 0 : i32
        %dma_wait3A_70 = tpu.memref_slice %arg13[%add3A_61, %dma_wait3A_69] : memref<10240x128xf32, #tpu.memory_space<vmem_shared>> -> memref<64x128xf32, #tpu.memory_space<vmem_shared>>
        tpu.wait_dma2 semaphore(%run_scoped3A : memref<!tpu.dma_semaphore, #tpu.memory_space<semaphore_mem>>) src(%arg12 : memref<64x128xf32, #tpu.memory_space<vmem>>) dst(%dma_wait3A_70 : memref<64x128xf32, #tpu.memory_space<vmem_shared>>)
        tpu.yield
      }) : () -> ()
      %scan3A_62 = arith.constant 0 : i32
      scf.yield %scan3A_62 : i32
    }
    %scan3A_31 = arith.constant 10 : i32
    %dma_wait3A = arith.constant 0 : i32
    %dma_wait3A_32 = tpu.memref_slice %arg3[%dma_wait3A] : memref<327680xi32, #tpu.memory_space<hbm>> -> memref<128xi32, #tpu.memory_space<hbm>>
    %dma_wait3A_33 = arith.constant 0 : i32
    %dma_wait3A_34 = tpu.memref_slice %arg3[%dma_wait3A_33] : memref<327680xi32, #tpu.memory_space<hbm>> -> memref<128xi32, #tpu.memory_space<hbm>>
    tpu.wait_dma2 semaphore(%arg14 : memref<!tpu.dma_semaphore, #tpu.memory_space<semaphore_mem>>) src(%dma_wait3A_34 : memref<128xi32, #tpu.memory_space<hbm>>) dst(%arg6 : memref<128xi32, #tpu.memory_space<vmem>>)
    %dma_wait3A_35 = arith.constant 0 : i32
    %dma_wait3A_36 = tpu.memref_slice %arg4[%dma_wait3A_35] : memref<327680xi32, #tpu.memory_space<hbm>> -> memref<128xi32, #tpu.memory_space<hbm>>
    %dma_wait3A_37 = arith.constant 0 : i32
    %dma_wait3A_38 = tpu.memref_slice %arg4[%dma_wait3A_37] : memref<327680xi32, #tpu.memory_space<hbm>> -> memref<128xi32, #tpu.memory_space<hbm>>
    tpu.wait_dma2 semaphore(%arg14 : memref<!tpu.dma_semaphore, #tpu.memory_space<semaphore_mem>>) src(%dma_wait3A_38 : memref<128xi32, #tpu.memory_space<hbm>>) dst(%arg8 : memref<128xi32, #tpu.memory_space<vmem>>)
    %barrier3A = arith.constant 0 : index
    tpu.barrier barrier_id(%barrier3A)
    %dma_start3A_39 = arith.constant 0 : i32
    %dma_start3A_40 = arith.constant 0 : i32
    %dma_start3A_41 = tpu.memref_slice %arg2[%dma_start3A_39, %dma_start3A_40] : memref<10000x128xf32, #tpu.memory_space<hbm>> -> memref<10000x128xf32, #tpu.memory_space<hbm>>
    tpu.enqueue_indirect_dma source(%dma_start3A_41 : memref<10000x128xf32, #tpu.memory_space<hbm>>) target(%arg10 : memref<128x128xf32, #tpu.memory_space<vmem>>) offsets(%arg6 : memref<128xi32, #tpu.memory_space<vmem>>) semaphore(%arg16 : memref<!tpu.dma_semaphore, #tpu.memory_space<semaphore_mem>>)
    %scan3A_42 = arith.constant 0 : i32
    %scan3A_43 = arith.constant 0 : i32
    %scan3A_44 = arith.constant 40 : i32
    %scan3A_45 = arith.addi %scan3A_43, %scan3A_44 : i32
    %scan3A_46 = arith.constant 1 : i32
    %scan3A_47 = scf.for %scan3A_57 = %scan3A_43 to %scan3A_45 step %scan3A_46 iter_args(%scan3A_58 = %scan3A_42) -> (i32)  : i32 {
      %mul3A_59 = arith.constant 2 : i32
      %mul3A_60 = arith.muli %scan3A_57, %mul3A_59 : i32
      %add3A_61 = arith.constant 0 : i32
      %add3A_62 = arith.addi %mul3A_60, %add3A_61 : i32
      %dma_wait3A_63 = arith.constant 0 : i32
      %dma_wait3A_64 = arith.constant 0 : i32
      %dma_wait3A_65 = tpu.memref_slice %arg2[%dma_wait3A_63, %dma_wait3A_64] : memref<10000x128xf32, #tpu.memory_space<hbm>> -> memref<10000x128xf32, #tpu.memory_space<hbm>>
      tpu.wait_indirect_dma semaphore(%arg16 : memref<!tpu.dma_semaphore, #tpu.memory_space<semaphore_mem>>) src(%dma_wait3A_65 : memref<10000x128xf32, #tpu.memory_space<hbm>>) dst(%arg10 : memref<128x128xf32, #tpu.memory_space<vmem>>)
      %add3A_66 = arith.constant 1 : i32
      %add3A_67 = arith.addi %add3A_62, %add3A_66 : i32
      %lt3A = arith.constant 80 : i32
      %lt3A_68 = arith.cmpi slt, %add3A_67, %lt3A : i32
      %convert_element_type3A = arith.extui %lt3A_68 : i1 to i32
      %cond3A = arith.constant 0 : i32
      %cond3A_69 = arith.cmpi ne, %convert_element_type3A, %cond3A : i32
      scf.if %cond3A_69 {
        %dma_wait3A_99 = arith.constant 0 : i32
        %dma_wait3A_100 = tpu.memref_slice %arg3[%dma_wait3A_99] : memref<327680xi32, #tpu.memory_space<hbm>> -> memref<128xi32, #tpu.memory_space<hbm>>
        %dma_wait3A_101 = arith.constant 0 : i32
        %dma_wait3A_102 = tpu.memref_slice %arg3[%dma_wait3A_101] : memref<327680xi32, #tpu.memory_space<hbm>> -> memref<128xi32, #tpu.memory_space<hbm>>
        tpu.wait_dma2 semaphore(%arg15 : memref<!tpu.dma_semaphore, #tpu.memory_space<semaphore_mem>>) src(%dma_wait3A_102 : memref<128xi32, #tpu.memory_space<hbm>>) dst(%arg7 : memref<128xi32, #tpu.memory_space<vmem>>)
        %dma_wait3A_103 = arith.constant 0 : i32
        %dma_wait3A_104 = tpu.memref_slice %arg4[%dma_wait3A_103] : memref<327680xi32, #tpu.memory_space<hbm>> -> memref<128xi32, #tpu.memory_space<hbm>>
        %dma_wait3A_105 = arith.constant 0 : i32
        %dma_wait3A_106 = tpu.memref_slice %arg4[%dma_wait3A_105] : memref<327680xi32, #tpu.memory_space<hbm>> -> memref<128xi32, #tpu.memory_space<hbm>>
        tpu.wait_dma2 semaphore(%arg15 : memref<!tpu.dma_semaphore, #tpu.memory_space<semaphore_mem>>) src(%dma_wait3A_106 : memref<128xi32, #tpu.memory_space<hbm>>) dst(%arg9 : memref<128xi32, #tpu.memory_space<vmem>>)
        %dma_start3A_107 = arith.constant 0 : i32
        %dma_start3A_108 = arith.constant 0 : i32
        %dma_start3A_109 = tpu.memref_slice %arg2[%dma_start3A_107, %dma_start3A_108] : memref<10000x128xf32, #tpu.memory_space<hbm>> -> memref<10000x128xf32, #tpu.memory_space<hbm>>
        tpu.enqueue_indirect_dma source(%dma_start3A_109 : memref<10000x128xf32, #tpu.memory_space<hbm>>) target(%arg11 : memref<128x128xf32, #tpu.memory_space<vmem>>) offsets(%arg7 : memref<128xi32, #tpu.memory_space<vmem>>) semaphore(%arg17 : memref<!tpu.dma_semaphore, #tpu.memory_space<semaphore_mem>>)
      } else {
      }
      "tpu.region"() ({
        %run_scoped3A = tpu.sem_alloc : memref<!tpu.dma_semaphore, #tpu.memory_space<semaphore_mem>>
        %dma_start3A_99 = arith.constant 0 : i32
        %dma_start3A_100 = arith.constant 0 : i32
        %dma_start3A_101 = tpu.memref_slice %arg13[%dma_start3A_99, %dma_start3A_100] : memref<10240x128xf32, #tpu.memory_space<vmem_shared>> -> memref<10240x128xf32, #tpu.memory_space<vmem_shared>>
        tpu.enqueue_indirect_dma source(%arg10 : memref<128x128xf32, #tpu.memory_space<vmem>>) target(%dma_start3A_101 : memref<10240x128xf32, #tpu.memory_space<vmem_shared>>) offsets(%arg8 : memref<128xi32, #tpu.memory_space<vmem>>) semaphore(%run_scoped3A : memref<!tpu.dma_semaphore, #tpu.memory_space<semaphore_mem>>) {add = true}
        %dma_wait3A_102 = arith.constant 0 : i32
        %dma_wait3A_103 = arith.constant 0 : i32
        %dma_wait3A_104 = tpu.memref_slice %arg13[%dma_wait3A_102, %dma_wait3A_103] : memref<10240x128xf32, #tpu.memory_space<vmem_shared>> -> memref<10240x128xf32, #tpu.memory_space<vmem_shared>>
        tpu.wait_indirect_dma semaphore(%run_scoped3A : memref<!tpu.dma_semaphore, #tpu.memory_space<semaphore_mem>>) src(%arg10 : memref<128x128xf32, #tpu.memory_space<vmem>>) dst(%dma_wait3A_104 : memref<10240x128xf32, #tpu.memory_space<vmem_shared>>)
        tpu.yield
      }) : () -> ()
      %add3A_70 = arith.constant 2 : i32
      %add3A_71 = arith.addi %add3A_62, %add3A_70 : i32
      %lt3A_72 = arith.constant 80 : i32
      %lt3A_73 = arith.cmpi slt, %add3A_71, %lt3A_72 : i32
      %convert_element_type3A_74 = arith.extui %lt3A_73 : i1 to i32
      %cond3A_75 = arith.constant 0 : i32
      %cond3A_76 = arith.cmpi ne, %convert_element_type3A_74, %cond3A_75 : i32
      scf.if %cond3A_76 {
        %add3A_99 = arith.constant 2 : i32
        %add3A_100 = arith.addi %add3A_62, %add3A_99 : i32
        %mul3A_101 = arith.constant 128 : i32
        %mul3A_102 = arith.muli %add3A_100, %mul3A_101 : i32
        %add3A_103 = arith.addi %mul3A_4, %mul3A_102 : i32
        %multiple_of3A_104 = tpu.assume_multiple %add3A_103, 8 : i32
        %dma_start3A_105 = tpu.memref_slice %arg3[%multiple_of3A_104] : memref<327680xi32, #tpu.memory_space<hbm>> -> memref<128xi32, #tpu.memory_space<hbm>>
        %dma_start3A_106 = tpu.memref_slice %arg3[%multiple_of3A_104] : memref<327680xi32, #tpu.memory_space<hbm>> -> memref<128xi32, #tpu.memory_space<hbm>>
        tpu.enqueue_dma source(%dma_start3A_106 : memref<128xi32, #tpu.memory_space<hbm>>) target(%arg6 : memref<128xi32, #tpu.memory_space<vmem>>) target_semaphore(%arg14 : memref<!tpu.dma_semaphore, #tpu.memory_space<semaphore_mem>>)
        %dma_start3A_107 = tpu.memref_slice %arg4[%multiple_of3A_104] : memref<327680xi32, #tpu.memory_space<hbm>> -> memref<128xi32, #tpu.memory_space<hbm>>
        %dma_start3A_108 = tpu.memref_slice %arg4[%multiple_of3A_104] : memref<327680xi32, #tpu.memory_space<hbm>> -> memref<128xi32, #tpu.memory_space<hbm>>
        tpu.enqueue_dma source(%dma_start3A_108 : memref<128xi32, #tpu.memory_space<hbm>>) target(%arg8 : memref<128xi32, #tpu.memory_space<vmem>>) target_semaphore(%arg14 : memref<!tpu.dma_semaphore, #tpu.memory_space<semaphore_mem>>)
      } else {
      }
      %mul3A_77 = arith.constant 2 : i32
      %mul3A_78 = arith.muli %scan3A_57, %mul3A_77 : i32
      %add3A_79 = arith.constant 1 : i32
      %add3A_80 = arith.addi %mul3A_78, %add3A_79 : i32
      %dma_wait3A_81 = arith.constant 0 : i32
      %dma_wait3A_82 = arith.constant 0 : i32
      %dma_wait3A_83 = tpu.memref_slice %arg2[%dma_wait3A_81, %dma_wait3A_82] : memref<10000x128xf32, #tpu.memory_space<hbm>> -> memref<10000x128xf32, #tpu.memory_space<hbm>>
      tpu.wait_indirect_dma semaphore(%arg17 : memref<!tpu.dma_semaphore, #tpu.memory_space<semaphore_mem>>) src(%dma_wait3A_83 : memref<10000x128xf32, #tpu.memory_space<hbm>>) dst(%arg11 : memref<128x128xf32, #tpu.memory_space<vmem>>)
      %add3A_84 = arith.constant 1 : i32
      %add3A_85 = arith.addi %add3A_80, %add3A_84 : i32
      %lt3A_86 = arith.constant 80 : i32
      %lt3A_87 = arith.cmpi slt, %add3A_85, %lt3A_86 : i32
      %convert_element_type3A_88 = arith.extui %lt3A_87 : i1 to i32
      %cond3A_89 = arith.constant 0 : i32
      %cond3A_90 = arith.cmpi ne, %convert_element_type3A_88, %cond3A_89 : i32
      scf.if %cond3A_90 {
        %dma_wait3A_99 = arith.constant 0 : i32
        %dma_wait3A_100 = tpu.memref_slice %arg3[%dma_wait3A_99] : memref<327680xi32, #tpu.memory_space<hbm>> -> memref<128xi32, #tpu.memory_space<hbm>>
        %dma_wait3A_101 = arith.constant 0 : i32
        %dma_wait3A_102 = tpu.memref_slice %arg3[%dma_wait3A_101] : memref<327680xi32, #tpu.memory_space<hbm>> -> memref<128xi32, #tpu.memory_space<hbm>>
        tpu.wait_dma2 semaphore(%arg14 : memref<!tpu.dma_semaphore, #tpu.memory_space<semaphore_mem>>) src(%dma_wait3A_102 : memref<128xi32, #tpu.memory_space<hbm>>) dst(%arg6 : memref<128xi32, #tpu.memory_space<vmem>>)
        %dma_wait3A_103 = arith.constant 0 : i32
        %dma_wait3A_104 = tpu.memref_slice %arg4[%dma_wait3A_103] : memref<327680xi32, #tpu.memory_space<hbm>> -> memref<128xi32, #tpu.memory_space<hbm>>
        %dma_wait3A_105 = arith.constant 0 : i32
        %dma_wait3A_106 = tpu.memref_slice %arg4[%dma_wait3A_105] : memref<327680xi32, #tpu.memory_space<hbm>> -> memref<128xi32, #tpu.memory_space<hbm>>
        tpu.wait_dma2 semaphore(%arg14 : memref<!tpu.dma_semaphore, #tpu.memory_space<semaphore_mem>>) src(%dma_wait3A_106 : memref<128xi32, #tpu.memory_space<hbm>>) dst(%arg8 : memref<128xi32, #tpu.memory_space<vmem>>)
        %dma_start3A_107 = arith.constant 0 : i32
        %dma_start3A_108 = arith.constant 0 : i32
        %dma_start3A_109 = tpu.memref_slice %arg2[%dma_start3A_107, %dma_start3A_108] : memref<10000x128xf32, #tpu.memory_space<hbm>> -> memref<10000x128xf32, #tpu.memory_space<hbm>>
        tpu.enqueue_indirect_dma source(%dma_start3A_109 : memref<10000x128xf32, #tpu.memory_space<hbm>>) target(%arg10 : memref<128x128xf32, #tpu.memory_space<vmem>>) offsets(%arg6 : memref<128xi32, #tpu.memory_space<vmem>>) semaphore(%arg16 : memref<!tpu.dma_semaphore, #tpu.memory_space<semaphore_mem>>)
      } else {
      }
      "tpu.region"() ({
        %run_scoped3A = tpu.sem_alloc : memref<!tpu.dma_semaphore, #tpu.memory_space<semaphore_mem>>
        %dma_start3A_99 = arith.constant 0 : i32
        %dma_start3A_100 = arith.constant 0 : i32
        %dma_start3A_101 = tpu.memref_slice %arg13[%dma_start3A_99, %dma_start3A_100] : memref<10240x128xf32, #tpu.memory_space<vmem_shared>> -> memref<10240x128xf32, #tpu.memory_space<vmem_shared>>
        tpu.enqueue_indirect_dma source(%arg11 : memref<128x128xf32, #tpu.memory_space<vmem>>) target(%dma_start3A_101 : memref<10240x128xf32, #tpu.memory_space<vmem_shared>>) offsets(%arg9 : memref<128xi32, #tpu.memory_space<vmem>>) semaphore(%run_scoped3A : memref<!tpu.dma_semaphore, #tpu.memory_space<semaphore_mem>>) {add = true}
        %dma_wait3A_102 = arith.constant 0 : i32
        %dma_wait3A_103 = arith.constant 0 : i32
        %dma_wait3A_104 = tpu.memref_slice %arg13[%dma_wait3A_102, %dma_wait3A_103] : memref<10240x128xf32, #tpu.memory_space<vmem_shared>> -> memref<10240x128xf32, #tpu.memory_space<vmem_shared>>
        tpu.wait_indirect_dma semaphore(%run_scoped3A : memref<!tpu.dma_semaphore, #tpu.memory_space<semaphore_mem>>) src(%arg11 : memref<128x128xf32, #tpu.memory_space<vmem>>) dst(%dma_wait3A_104 : memref<10240x128xf32, #tpu.memory_space<vmem_shared>>)
        tpu.yield
      }) : () -> ()
      %add3A_91 = arith.constant 2 : i32
      %add3A_92 = arith.addi %add3A_80, %add3A_91 : i32
      %lt3A_93 = arith.constant 80 : i32
      %lt3A_94 = arith.cmpi slt, %add3A_92, %lt3A_93 : i32
      %convert_element_type3A_95 = arith.extui %lt3A_94 : i1 to i32
      %cond3A_96 = arith.constant 0 : i32
      %cond3A_97 = arith.cmpi ne, %convert_element_type3A_95, %cond3A_96 : i32
      scf.if %cond3A_97 {
        %add3A_99 = arith.constant 2 : i32
        %add3A_100 = arith.addi %add3A_80, %add3A_99 : i32
        %mul3A_101 = arith.constant 128 : i32
        %mul3A_102 = arith.muli %add3A_100, %mul3A_101 : i32
        %add3A_103 = arith.addi %mul3A_4, %mul3A_102 : i32
        %multiple_of3A_104 = tpu.assume_multiple %add3A_103, 8 : i32
        %dma_start3A_105 = tpu.memref_slice %arg3[%multiple_of3A_104] : memref<327680xi32, #tpu.memory_space<hbm>> -> memref<128xi32, #tpu.memory_space<hbm>>
        %dma_start3A_106 = tpu.memref_slice %arg3[%multiple_of3A_104] : memref<327680xi32, #tpu.memory_space<hbm>> -> memref<128xi32, #tpu.memory_space<hbm>>
        tpu.enqueue_dma source(%dma_start3A_106 : memref<128xi32, #tpu.memory_space<hbm>>) target(%arg7 : memref<128xi32, #tpu.memory_space<vmem>>) target_semaphore(%arg15 : memref<!tpu.dma_semaphore, #tpu.memory_space<semaphore_mem>>)
        %dma_start3A_107 = tpu.memref_slice %arg4[%multiple_of3A_104] : memref<327680xi32, #tpu.memory_space<hbm>> -> memref<128xi32, #tpu.memory_space<hbm>>
        %dma_start3A_108 = tpu.memref_slice %arg4[%multiple_of3A_104] : memref<327680xi32, #tpu.memory_space<hbm>> -> memref<128xi32, #tpu.memory_space<hbm>>
        tpu.enqueue_dma source(%dma_start3A_108 : memref<128xi32, #tpu.memory_space<hbm>>) target(%arg9 : memref<128xi32, #tpu.memory_space<vmem>>) target_semaphore(%arg15 : memref<!tpu.dma_semaphore, #tpu.memory_space<semaphore_mem>>)
      } else {
      }
      %scan3A_98 = arith.constant 0 : i32
      scf.yield %scan3A_98 : i32
    }
    %scan3A_48 = arith.constant 40 : i32
    %barrier3A_49 = arith.constant 0 : index
    tpu.barrier barrier_id(%barrier3A_49)
    %scan3A_50 = arith.constant 0 : i32
    %scan3A_51 = arith.constant 0 : i32
    %scan3A_52 = arith.constant 10 : i32
    %scan3A_53 = arith.addi %scan3A_51, %scan3A_52 : i32
    %scan3A_54 = arith.constant 1 : i32
    %scan3A_55 = scf.for %scan3A_57 = %scan3A_51 to %scan3A_53 step %scan3A_54 iter_args(%scan3A_58 = %scan3A_50) -> (i32)  : i32 {
      %mul3A_59 = arith.constant 64 : i32
      %mul3A_60 = arith.muli %scan3A_57, %mul3A_59 : i32
      %add3A_61 = arith.addi %mul3A_24, %mul3A_60 : i32
      "tpu.region"() ({
        %run_scoped3A = tpu.sem_alloc : memref<!tpu.dma_semaphore, #tpu.memory_space<semaphore_mem>>
        %dma_start3A_63 = arith.constant 0 : i32
        %dma_start3A_64 = tpu.memref_slice %arg13[%add3A_61, %dma_start3A_63] : memref<10240x128xf32, #tpu.memory_space<vmem_shared>> -> memref<64x128xf32, #tpu.memory_space<vmem_shared>>
        %dma_start3A_65 = arith.constant 0 : i32
        %dma_start3A_66 = tpu.memref_slice %arg13[%add3A_61, %dma_start3A_65] : memref<10240x128xf32, #tpu.memory_space<vmem_shared>> -> memref<64x128xf32, #tpu.memory_space<vmem_shared>>
        tpu.enqueue_dma source(%dma_start3A_66 : memref<64x128xf32, #tpu.memory_space<vmem_shared>>) target(%arg12 : memref<64x128xf32, #tpu.memory_space<vmem>>) target_semaphore(%run_scoped3A : memref<!tpu.dma_semaphore, #tpu.memory_space<semaphore_mem>>)
        %dma_wait3A_67 = arith.constant 0 : i32
        %dma_wait3A_68 = tpu.memref_slice %arg13[%add3A_61, %dma_wait3A_67] : memref<10240x128xf32, #tpu.memory_space<vmem_shared>> -> memref<64x128xf32, #tpu.memory_space<vmem_shared>>
        %dma_wait3A_69 = arith.constant 0 : i32
        %dma_wait3A_70 = tpu.memref_slice %arg13[%add3A_61, %dma_wait3A_69] : memref<10240x128xf32, #tpu.memory_space<vmem_shared>> -> memref<64x128xf32, #tpu.memory_space<vmem_shared>>
        tpu.wait_dma2 semaphore(%run_scoped3A : memref<!tpu.dma_semaphore, #tpu.memory_space<semaphore_mem>>) src(%dma_wait3A_70 : memref<64x128xf32, #tpu.memory_space<vmem_shared>>) dst(%arg12 : memref<64x128xf32, #tpu.memory_space<vmem>>)
        tpu.yield
      }) : () -> ()
      "tpu.region"() ({
        %run_scoped3A = tpu.sem_alloc : memref<!tpu.dma_semaphore, #tpu.memory_space<semaphore_mem>>
        %dma_start3A_63 = arith.constant 0 : i32
        %dma_start3A_64 = arith.constant 0 : i32
        %dma_start3A_65 = tpu.memref_slice %arg5[%arg0, %dma_start3A_63, %dma_start3A_64] : memref<2x10240x128xf32, #tpu.memory_space<hbm>> -> memref<1x10240x128xf32, #tpu.memory_space<hbm>>
        %dma_start3A_66 = tpu.memref_squeeze %dma_start3A_65 : memref<1x10240x128xf32, #tpu.memory_space<hbm>> -> memref<10240x128xf32, #tpu.memory_space<hbm>>
        %dma_start3A_67 = arith.constant 0 : i32
        %dma_start3A_68 = tpu.memref_slice %dma_start3A_66[%add3A_61, %dma_start3A_67] : memref<10240x128xf32, #tpu.memory_space<hbm>> -> memref<64x128xf32, #tpu.memory_space<hbm>>
        %dma_start3A_69 = arith.constant 0 : i32
        %dma_start3A_70 = arith.constant 0 : i32
        %dma_start3A_71 = tpu.memref_slice %arg5[%arg0, %dma_start3A_69, %dma_start3A_70] : memref<2x10240x128xf32, #tpu.memory_space<hbm>> -> memref<1x10240x128xf32, #tpu.memory_space<hbm>>
        %dma_start3A_72 = tpu.memref_squeeze %dma_start3A_71 : memref<1x10240x128xf32, #tpu.memory_space<hbm>> -> memref<10240x128xf32, #tpu.memory_space<hbm>>
        %dma_start3A_73 = arith.constant 0 : i32
        %dma_start3A_74 = tpu.memref_slice %dma_start3A_72[%add3A_61, %dma_start3A_73] : memref<10240x128xf32, #tpu.memory_space<hbm>> -> memref<64x128xf32, #tpu.memory_space<hbm>>
        tpu.enqueue_dma source(%arg12 : memref<64x128xf32, #tpu.memory_space<vmem>>) target(%dma_start3A_74 : memref<64x128xf32, #tpu.memory_space<hbm>>) target_semaphore(%run_scoped3A : memref<!tpu.dma_semaphore, #tpu.memory_space<semaphore_mem>>)
        %dma_wait3A_75 = arith.constant 0 : i32
        %dma_wait3A_76 = arith.constant 0 : i32
        %dma_wait3A_77 = tpu.memref_slice %arg5[%arg0, %dma_wait3A_75, %dma_wait3A_76] : memref<2x10240x128xf32, #tpu.memory_space<hbm>> -> memref<1x10240x128xf32, #tpu.memory_space<hbm>>
        %dma_wait3A_78 = tpu.memref_squeeze %dma_wait3A_77 : memref<1x10240x128xf32, #tpu.memory_space<hbm>> -> memref<10240x128xf32, #tpu.memory_space<hbm>>
        %dma_wait3A_79 = arith.constant 0 : i32
        %dma_wait3A_80 = tpu.memref_slice %dma_wait3A_78[%add3A_61, %dma_wait3A_79] : memref<10240x128xf32, #tpu.memory_space<hbm>> -> memref<64x128xf32, #tpu.memory_space<hbm>>
        %dma_wait3A_81 = arith.constant 0 : i32
        %dma_wait3A_82 = arith.constant 0 : i32
        %dma_wait3A_83 = tpu.memref_slice %arg5[%arg0, %dma_wait3A_81, %dma_wait3A_82] : memref<2x10240x128xf32, #tpu.memory_space<hbm>> -> memref<1x10240x128xf32, #tpu.memory_space<hbm>>
        %dma_wait3A_84 = tpu.memref_squeeze %dma_wait3A_83 : memref<1x10240x128xf32, #tpu.memory_space<hbm>> -> memref<10240x128xf32, #tpu.memory_space<hbm>>
        %dma_wait3A_85 = arith.constant 0 : i32
        %dma_wait3A_86 = tpu.memref_slice %dma_wait3A_84[%add3A_61, %dma_wait3A_85] : memref<10240x128xf32, #tpu.memory_space<hbm>> -> memref<64x128xf32, #tpu.memory_space<hbm>>
        tpu.wait_dma2 semaphore(%run_scoped3A : memref<!tpu.dma_semaphore, #tpu.memory_space<semaphore_mem>>) src(%arg12 : memref<64x128xf32, #tpu.memory_space<vmem>>) dst(%dma_wait3A_86 : memref<64x128xf32, #tpu.memory_space<hbm>>)
        tpu.yield
      }) : () -> ()
      %scan3A_62 = arith.constant 0 : i32
      scf.yield %scan3A_62 : i32
    }
    %scan3A_56 = arith.constant 10 : i32
    return
  }
}

module attributes {stable_mosaic.version = 14 : i64} {
  func.func @_stage_last_body(%arg0: i32, %arg1: memref<1000x128xf32, #tpu.memory_space<vmem>>, %arg2: memref<1x1000x128xf32, #tpu.memory_space<vmem>>, %arg3: memref<1x1000x128xf32, #tpu.memory_space<vmem>>, %arg4: memref<1x128xf32, #tpu.memory_space<vmem>>, %arg5: memref<128x128xf32, #tpu.memory_space<vmem>>, %arg6: memref<1x128xf32, #tpu.memory_space<vmem>>, %arg7: memref<1000x128xf32, #tpu.memory_space<vmem>>, %arg8: memref<1x128xf32, #tpu.memory_space<vmem>>) attributes {dimension_semantics = [#tpu.dimension_semantics<arbitrary>], iteration_bounds = array<i64: 10>, scalar_prefetch = 0 : i64, scratch_operands = 0 : i64, tpu.core_type = #tpu.core_type<tc>, window_params = [{transform_indices = @transform_0, window_bounds = array<i64: 1000, 128>}, {transform_indices = @transform_1, window_bounds = array<i64: 1, 1000, 128>}, {transform_indices = @transform_2, window_bounds = array<i64: 1, 1000, 128>}, {pipeline_mode = #tpu.pipeline_mode<synchronous>, transform_indices = @transform_3, window_bounds = array<i64: 1, 128>}, {pipeline_mode = #tpu.pipeline_mode<synchronous>, transform_indices = @transform_4, window_bounds = array<i64: 128, 128>}, {pipeline_mode = #tpu.pipeline_mode<synchronous>, transform_indices = @transform_5, window_bounds = array<i64: 1, 128>}, {transform_indices = @transform_6, window_bounds = array<i64: 1000, 128>}, {pipeline_mode = #tpu.pipeline_mode<synchronous>, transform_indices = @transform_7, window_bounds = array<i64: 1, 128>}]} {
    %get3A = arith.constant 0 : index
    %get3A_0 = arith.constant 0 : index
    %get3A_1 = vector.load %arg1[%get3A, %get3A_0] : memref<1000x128xf32, #tpu.memory_space<vmem>>, vector<1000x128xf32>
    %get3A_2 = arith.constant 0 : index
    %get3A_3 = arith.constant 0 : index
    %get3A_4 = arith.constant 0 : index
    %get3A_5 = vector.load %arg2[%get3A_2, %get3A_3, %get3A_4] : memref<1x1000x128xf32, #tpu.memory_space<vmem>>, vector<1x1000x128xf32>
    %get3A_6 = vector.shape_cast %get3A_5 : vector<1x1000x128xf32> to vector<1000x128xf32>
    %add3A = arith.addf %get3A_1, %get3A_6 : vector<1000x128xf32>
    %get3A_7 = arith.constant 0 : index
    %get3A_8 = arith.constant 0 : index
    %get3A_9 = arith.constant 0 : index
    %get3A_10 = vector.load %arg3[%get3A_7, %get3A_8, %get3A_9] : memref<1x1000x128xf32, #tpu.memory_space<vmem>>, vector<1x1000x128xf32>
    %get3A_11 = vector.shape_cast %get3A_10 : vector<1x1000x128xf32> to vector<1000x128xf32>
    %add3A_12 = arith.addf %add3A, %get3A_11 : vector<1000x128xf32>
    %get3A_13 = arith.constant 0 : index
    %get3A_14 = arith.constant 0 : index
    %get3A_15 = vector.load %arg4[%get3A_13, %get3A_14] : memref<1x128xf32, #tpu.memory_space<vmem>>, vector<1x128xf32>
    %add3A_16 = vector.broadcast %get3A_15 : vector<1x128xf32> to vector<1000x128xf32>
    %add3A_17 = arith.addf %add3A_12, %add3A_16 : vector<1000x128xf32>
    %max3A = arith.constant 0.000000e+00 : f32
    %max3A_18 = vector.broadcast %max3A : f32 to vector<1000x128xf32>
    %max3A_19 = arith.maximumf %add3A_17, %max3A_18 : vector<1000x128xf32>
    %get3A_20 = arith.constant 0 : index
    %get3A_21 = arith.constant 0 : index
    %get3A_22 = vector.load %arg5[%get3A_20, %get3A_21] : memref<128x128xf32, #tpu.memory_space<vmem>>, vector<128x128xf32>
    %dot_general3A = arith.constant dense<0.000000e+00> : vector<1000x128xf32>
    %dot_general3A_23 = tpu.matmul %max3A_19, %get3A_22, %dot_general3A {dimension_numbers = #tpu.dot_dimension_numbers<[1], [1], [0], [0], [0, 0, 1, 0], [], []>, transpose_lhs_hint = false} : vector<1000x128xf32>, vector<128x128xf32>, vector<1000x128xf32> -> vector<1000x128xf32>
    %get3A_24 = arith.constant 0 : index
    %get3A_25 = arith.constant 0 : index
    %get3A_26 = vector.load %arg6[%get3A_24, %get3A_25] : memref<1x128xf32, #tpu.memory_space<vmem>>, vector<1x128xf32>
    %add3A_27 = vector.broadcast %get3A_26 : vector<1x128xf32> to vector<1000x128xf32>
    %add3A_28 = arith.addf %dot_general3A_23, %add3A_27 : vector<1000x128xf32>
    %max3A_29 = arith.constant 0.000000e+00 : f32
    %max3A_30 = vector.broadcast %max3A_29 : f32 to vector<1000x128xf32>
    %max3A_31 = arith.maximumf %add3A_28, %max3A_30 : vector<1000x128xf32>
    %swap3A = arith.constant 0 : index
    %swap3A_32 = arith.constant 0 : index
    %swap3A_33 = vector.load %arg7[%swap3A, %swap3A_32] : memref<1000x128xf32, #tpu.memory_space<vmem>>, vector<1000x128xf32>
    tpu.vector_store %arg7[%swap3A, %swap3A_32], %max3A_31 {strides = array<i32>} : memref<1000x128xf32, #tpu.memory_space<vmem>>, vector<1000x128xf32>,
    %eq3A = arith.constant 0 : i32
    %eq3A_34 = arith.cmpi eq, %arg0, %eq3A : i32
    %convert_element_type3A = arith.extui %eq3A_34 : i1 to i32
    %cond3A = arith.constant 0 : i32
    %cond3A_35 = arith.cmpi ne, %convert_element_type3A, %cond3A : i32
    scf.if %cond3A_35 {
      %broadcast_in_dim3A_44 = arith.constant 0.000000e+00 : f32
      %broadcast_in_dim3A_45 = vector.broadcast %broadcast_in_dim3A_44 : f32 to vector<1x128xf32>
      %swap3A_46 = arith.constant 0 : index
      %swap3A_47 = arith.constant 0 : index
      %swap3A_48 = vector.load %arg8[%swap3A_46, %swap3A_47] : memref<1x128xf32, #tpu.memory_space<vmem>>, vector<1x128xf32>
      tpu.vector_store %arg8[%swap3A_46, %swap3A_47], %broadcast_in_dim3A_45 {strides = array<i32>} : memref<1x128xf32, #tpu.memory_space<vmem>>, vector<1x128xf32>,
    } else {
    }
    %get3A_36 = arith.constant 0 : index
    %get3A_37 = arith.constant 0 : index
    %get3A_38 = vector.load %arg8[%get3A_36, %get3A_37] : memref<1x128xf32, #tpu.memory_space<vmem>>, vector<1x128xf32>
    %reduce_sum3A = arith.constant dense<0.000000e+00> : vector<128xf32>
    %reduce_sum3A_39 = vector.multi_reduction <add>, %max3A_31, %reduce_sum3A [0] : vector<1000x128xf32> to vector<128xf32>
    %broadcast_in_dim3A = vector.shape_cast %reduce_sum3A_39 : vector<128xf32> to vector<1x128xf32>
    %add3A_40 = arith.addf %get3A_38, %broadcast_in_dim3A : vector<1x128xf32>
    %swap3A_41 = arith.constant 0 : index
    %swap3A_42 = arith.constant 0 : index
    %swap3A_43 = vector.load %arg8[%swap3A_41, %swap3A_42] : memref<1x128xf32, #tpu.memory_space<vmem>>, vector<1x128xf32>
    tpu.vector_store %arg8[%swap3A_41, %swap3A_42], %add3A_40 {strides = array<i32>} : memref<1x128xf32, #tpu.memory_space<vmem>>, vector<1x128xf32>,
    return
  }
  func.func @transform_0(%arg0: i32) -> (i32, i32) {
    %c0_i32 = arith.constant 0 : i32
    %c0_i32_0 = arith.constant 0 : i32
    return %arg0, %c0_i32 : i32, i32
  }
  func.func @transform_1(%arg0: i32) -> (i32, i32, i32) {
    %c0_i32 = arith.constant 0 : i32
    %c0_i32_0 = arith.constant 0 : i32
    %c0_i32_1 = arith.constant 0 : i32
    return %c0_i32, %arg0, %c0_i32_0 : i32, i32, i32
  }
  func.func @transform_2(%arg0: i32) -> (i32, i32, i32) {
    %c1_i32 = arith.constant 1 : i32
    %c0_i32 = arith.constant 0 : i32
    %c0_i32_0 = arith.constant 0 : i32
    return %c1_i32, %arg0, %c0_i32 : i32, i32, i32
  }
  func.func @transform_3(%arg0: i32) -> (i32, i32) {
    %c0_i32 = arith.constant 0 : i32
    %c0_i32_0 = arith.constant 0 : i32
    %c0_i32_1 = arith.constant 0 : i32
    return %c0_i32, %c0_i32_0 : i32, i32
  }
  func.func @transform_4(%arg0: i32) -> (i32, i32) {
    %c0_i32 = arith.constant 0 : i32
    %c0_i32_0 = arith.constant 0 : i32
    %c0_i32_1 = arith.constant 0 : i32
    return %c0_i32, %c0_i32_0 : i32, i32
  }
  func.func @transform_5(%arg0: i32) -> (i32, i32) {
    %c0_i32 = arith.constant 0 : i32
    %c0_i32_0 = arith.constant 0 : i32
    %c0_i32_1 = arith.constant 0 : i32
    return %c0_i32, %c0_i32_0 : i32, i32
  }
  func.func @transform_6(%arg0: i32) -> (i32, i32) {
    %c0_i32 = arith.constant 0 : i32
    %c0_i32_0 = arith.constant 0 : i32
    return %arg0, %c0_i32 : i32, i32
  }
  func.func @transform_7(%arg0: i32) -> (i32, i32) {
    %c0_i32 = arith.constant 0 : i32
    %c0_i32_0 = arith.constant 0 : i32
    %c0_i32_1 = arith.constant 0 : i32
    return %c0_i32, %c0_i32_0 : i32, i32
  }
}

module attributes {stable_mosaic.version = 14 : i64} {
  func.func @_proj_body(%arg0: i32, %arg1: memref<1000x162xf32, #tpu.memory_space<vmem>>, %arg2: memref<128x162xf32, #tpu.memory_space<vmem>>, %arg3: memref<1000x128xf32, #tpu.memory_space<vmem>>, %arg4: memref<1x162xf32, #tpu.memory_space<vmem>>) attributes {dimension_semantics = [#tpu.dimension_semantics<arbitrary>], iteration_bounds = array<i64: 10>, scalar_prefetch = 0 : i64, scratch_operands = 0 : i64, tpu.core_type = #tpu.core_type<tc>, window_params = [{transform_indices = @transform_0, window_bounds = array<i64: 1000, 162>}, {pipeline_mode = #tpu.pipeline_mode<synchronous>, transform_indices = @transform_1, window_bounds = array<i64: 128, 162>}, {transform_indices = @transform_2, window_bounds = array<i64: 1000, 128>}, {pipeline_mode = #tpu.pipeline_mode<synchronous>, transform_indices = @transform_3, window_bounds = array<i64: 1, 162>}]} {
    %get3A = arith.constant 0 : index
    %get3A_0 = arith.constant 0 : index
    %get3A_1 = vector.load %arg1[%get3A, %get3A_0] : memref<1000x162xf32, #tpu.memory_space<vmem>>, vector<1000x162xf32>
    %get3A_2 = arith.constant 0 : index
    %get3A_3 = arith.constant 0 : index
    %get3A_4 = vector.load %arg2[%get3A_2, %get3A_3] : memref<128x162xf32, #tpu.memory_space<vmem>>, vector<128x162xf32>
    %dot_general3A = arith.constant dense<0.000000e+00> : vector<1000x128xf32>
    %dot_general3A_5 = tpu.matmul %get3A_1, %get3A_4, %dot_general3A {dimension_numbers = #tpu.dot_dimension_numbers<[1], [1], [0], [0], [0, 0, 1, 0], [], []>, transpose_lhs_hint = false} : vector<1000x162xf32>, vector<128x162xf32>, vector<1000x128xf32> -> vector<1000x128xf32>
    %swap3A = arith.constant 0 : index
    %swap3A_6 = arith.constant 0 : index
    %swap3A_7 = vector.load %arg3[%swap3A, %swap3A_6] : memref<1000x128xf32, #tpu.memory_space<vmem>>, vector<1000x128xf32>
    tpu.vector_store %arg3[%swap3A, %swap3A_6], %dot_general3A_5 {strides = array<i32>} : memref<1000x128xf32, #tpu.memory_space<vmem>>, vector<1000x128xf32>,
    %eq3A = arith.constant 0 : i32
    %eq3A_8 = arith.cmpi eq, %arg0, %eq3A : i32
    %convert_element_type3A = arith.extui %eq3A_8 : i1 to i32
    %cond3A = arith.constant 0 : i32
    %cond3A_9 = arith.cmpi ne, %convert_element_type3A, %cond3A : i32
    scf.if %cond3A_9 {
      %broadcast_in_dim3A_17 = arith.constant 0.000000e+00 : f32
      %broadcast_in_dim3A_18 = vector.broadcast %broadcast_in_dim3A_17 : f32 to vector<1x162xf32>
      %swap3A_19 = arith.constant 0 : index
      %swap3A_20 = arith.constant 0 : index
      %swap3A_21 = vector.load %arg4[%swap3A_19, %swap3A_20] : memref<1x162xf32, #tpu.memory_space<vmem>>, vector<1x162xf32>
      tpu.vector_store %arg4[%swap3A_19, %swap3A_20], %broadcast_in_dim3A_18 {strides = array<i32>} : memref<1x162xf32, #tpu.memory_space<vmem>>, vector<1x162xf32>,
    } else {
    }
    %get3A_10 = arith.constant 0 : index
    %get3A_11 = arith.constant 0 : index
    %get3A_12 = vector.load %arg4[%get3A_10, %get3A_11] : memref<1x162xf32, #tpu.memory_space<vmem>>, vector<1x162xf32>
    %reduce_sum3A = arith.constant dense<0.000000e+00> : vector<162xf32>
    %reduce_sum3A_13 = vector.multi_reduction <add>, %get3A_1, %reduce_sum3A [0] : vector<1000x162xf32> to vector<162xf32>
    %broadcast_in_dim3A = vector.shape_cast %reduce_sum3A_13 : vector<162xf32> to vector<1x162xf32>
    %add3A = arith.addf %get3A_12, %broadcast_in_dim3A : vector<1x162xf32>
    %swap3A_14 = arith.constant 0 : index
    %swap3A_15 = arith.constant 0 : index
    %swap3A_16 = vector.load %arg4[%swap3A_14, %swap3A_15] : memref<1x162xf32, #tpu.memory_space<vmem>>, vector<1x162xf32>
    tpu.vector_store %arg4[%swap3A_14, %swap3A_15], %add3A {strides = array<i32>} : memref<1x162xf32, #tpu.memory_space<vmem>>, vector<1x162xf32>,
    return
  }
  func.func @transform_0(%arg0: i32) -> (i32, i32) {
    %c0_i32 = arith.constant 0 : i32
    %c0_i32_0 = arith.constant 0 : i32
    return %arg0, %c0_i32 : i32, i32
  }
  func.func @transform_1(%arg0: i32) -> (i32, i32) {
    %c0_i32 = arith.constant 0 : i32
    %c0_i32_0 = arith.constant 0 : i32
    %c0_i32_1 = arith.constant 0 : i32
    return %c0_i32, %c0_i32_0 : i32, i32
  }
  func.func @transform_2(%arg0: i32) -> (i32, i32) {
    %c0_i32 = arith.constant 0 : i32
    %c0_i32_0 = arith.constant 0 : i32
    return %arg0, %c0_i32 : i32, i32
  }
  func.func @transform_3(%arg0: i32) -> (i32, i32) {
    %c0_i32 = arith.constant 0 : i32
    %c0_i32_0 = arith.constant 0 : i32
    %c0_i32_1 = arith.constant 0 : i32
    return %c0_i32, %c0_i32_0 : i32, i32
  }
}

module attributes {stable_mosaic.version = 14 : i64} {
  func.func @_stage_mid_body(%arg0: i32, %arg1: memref<1000x128xf32, #tpu.memory_space<vmem>>, %arg2: memref<1x1000x128xf32, #tpu.memory_space<vmem>>, %arg3: memref<1x1000x128xf32, #tpu.memory_space<vmem>>, %arg4: memref<1x128xf32, #tpu.memory_space<vmem>>, %arg5: memref<128x128xf32, #tpu.memory_space<vmem>>, %arg6: memref<1x128xf32, #tpu.memory_space<vmem>>, %arg7: memref<128x128xf32, #tpu.memory_space<vmem>>, %arg8: memref<1000x128xf32, #tpu.memory_space<vmem>>, %arg9: memref<1x128xf32, #tpu.memory_space<vmem>>) attributes {dimension_semantics = [#tpu.dimension_semantics<arbitrary>], iteration_bounds = array<i64: 10>, scalar_prefetch = 0 : i64, scratch_operands = 0 : i64, tpu.core_type = #tpu.core_type<tc>, window_params = [{transform_indices = @transform_0, window_bounds = array<i64: 1000, 128>}, {transform_indices = @transform_1, window_bounds = array<i64: 1, 1000, 128>}, {transform_indices = @transform_2, window_bounds = array<i64: 1, 1000, 128>}, {pipeline_mode = #tpu.pipeline_mode<synchronous>, transform_indices = @transform_3, window_bounds = array<i64: 1, 128>}, {pipeline_mode = #tpu.pipeline_mode<synchronous>, transform_indices = @transform_4, window_bounds = array<i64: 128, 128>}, {pipeline_mode = #tpu.pipeline_mode<synchronous>, transform_indices = @transform_5, window_bounds = array<i64: 1, 128>}, {pipeline_mode = #tpu.pipeline_mode<synchronous>, transform_indices = @transform_6, window_bounds = array<i64: 128, 128>}, {transform_indices = @transform_7, window_bounds = array<i64: 1000, 128>}, {pipeline_mode = #tpu.pipeline_mode<synchronous>, transform_indices = @transform_8, window_bounds = array<i64: 1, 128>}]} {
    %get3A = arith.constant 0 : index
    %get3A_0 = arith.constant 0 : index
    %get3A_1 = vector.load %arg1[%get3A, %get3A_0] : memref<1000x128xf32, #tpu.memory_space<vmem>>, vector<1000x128xf32>
    %get3A_2 = arith.constant 0 : index
    %get3A_3 = arith.constant 0 : index
    %get3A_4 = arith.constant 0 : index
    %get3A_5 = vector.load %arg2[%get3A_2, %get3A_3, %get3A_4] : memref<1x1000x128xf32, #tpu.memory_space<vmem>>, vector<1x1000x128xf32>
    %get3A_6 = vector.shape_cast %get3A_5 : vector<1x1000x128xf32> to vector<1000x128xf32>
    %add3A = arith.addf %get3A_1, %get3A_6 : vector<1000x128xf32>
    %get3A_7 = arith.constant 0 : index
    %get3A_8 = arith.constant 0 : index
    %get3A_9 = arith.constant 0 : index
    %get3A_10 = vector.load %arg3[%get3A_7, %get3A_8, %get3A_9] : memref<1x1000x128xf32, #tpu.memory_space<vmem>>, vector<1x1000x128xf32>
    %get3A_11 = vector.shape_cast %get3A_10 : vector<1x1000x128xf32> to vector<1000x128xf32>
    %add3A_12 = arith.addf %add3A, %get3A_11 : vector<1000x128xf32>
    %get3A_13 = arith.constant 0 : index
    %get3A_14 = arith.constant 0 : index
    %get3A_15 = vector.load %arg4[%get3A_13, %get3A_14] : memref<1x128xf32, #tpu.memory_space<vmem>>, vector<1x128xf32>
    %add3A_16 = vector.broadcast %get3A_15 : vector<1x128xf32> to vector<1000x128xf32>
    %add3A_17 = arith.addf %add3A_12, %add3A_16 : vector<1000x128xf32>
    %max3A = arith.constant 0.000000e+00 : f32
    %max3A_18 = vector.broadcast %max3A : f32 to vector<1000x128xf32>
    %max3A_19 = arith.maximumf %add3A_17, %max3A_18 : vector<1000x128xf32>
    %get3A_20 = arith.constant 0 : index
    %get3A_21 = arith.constant 0 : index
    %get3A_22 = vector.load %arg5[%get3A_20, %get3A_21] : memref<128x128xf32, #tpu.memory_space<vmem>>, vector<128x128xf32>
    %dot_general3A = arith.constant dense<0.000000e+00> : vector<1000x128xf32>
    %dot_general3A_23 = tpu.matmul %max3A_19, %get3A_22, %dot_general3A {dimension_numbers = #tpu.dot_dimension_numbers<[1], [1], [0], [0], [0, 0, 1, 0], [], []>, transpose_lhs_hint = false} : vector<1000x128xf32>, vector<128x128xf32>, vector<1000x128xf32> -> vector<1000x128xf32>
    %get3A_24 = arith.constant 0 : index
    %get3A_25 = arith.constant 0 : index
    %get3A_26 = vector.load %arg6[%get3A_24, %get3A_25] : memref<1x128xf32, #tpu.memory_space<vmem>>, vector<1x128xf32>
    %add3A_27 = vector.broadcast %get3A_26 : vector<1x128xf32> to vector<1000x128xf32>
    %add3A_28 = arith.addf %dot_general3A_23, %add3A_27 : vector<1000x128xf32>
    %max3A_29 = arith.constant 0.000000e+00 : f32
    %max3A_30 = vector.broadcast %max3A_29 : f32 to vector<1000x128xf32>
    %max3A_31 = arith.maximumf %add3A_28, %max3A_30 : vector<1000x128xf32>
    %get3A_32 = arith.constant 0 : index
    %get3A_33 = arith.constant 0 : index
    %get3A_34 = vector.load %arg7[%get3A_32, %get3A_33] : memref<128x128xf32, #tpu.memory_space<vmem>>, vector<128x128xf32>
    %dot_general3A_35 = arith.constant dense<0.000000e+00> : vector<1000x128xf32>
    %dot_general3A_36 = tpu.matmul %max3A_31, %get3A_34, %dot_general3A_35 {dimension_numbers = #tpu.dot_dimension_numbers<[1], [1], [0], [0], [0, 0, 1, 0], [], []>, transpose_lhs_hint = false} : vector<1000x128xf32>, vector<128x128xf32>, vector<1000x128xf32> -> vector<1000x128xf32>
    %swap3A = arith.constant 0 : index
    %swap3A_37 = arith.constant 0 : index
    %swap3A_38 = vector.load %arg8[%swap3A, %swap3A_37] : memref<1000x128xf32, #tpu.memory_space<vmem>>, vector<1000x128xf32>
    tpu.vector_store %arg8[%swap3A, %swap3A_37], %dot_general3A_36 {strides = array<i32>} : memref<1000x128xf32, #tpu.memory_space<vmem>>, vector<1000x128xf32>,
    %eq3A = arith.constant 0 : i32
    %eq3A_39 = arith.cmpi eq, %arg0, %eq3A : i32
    %convert_element_type3A = arith.extui %eq3A_39 : i1 to i32
    %cond3A = arith.constant 0 : i32
    %cond3A_40 = arith.cmpi ne, %convert_element_type3A, %cond3A : i32
    scf.if %cond3A_40 {
      %broadcast_in_dim3A_49 = arith.constant 0.000000e+00 : f32
      %broadcast_in_dim3A_50 = vector.broadcast %broadcast_in_dim3A_49 : f32 to vector<1x128xf32>
      %swap3A_51 = arith.constant 0 : index
      %swap3A_52 = arith.constant 0 : index
      %swap3A_53 = vector.load %arg9[%swap3A_51, %swap3A_52] : memref<1x128xf32, #tpu.memory_space<vmem>>, vector<1x128xf32>
      tpu.vector_store %arg9[%swap3A_51, %swap3A_52], %broadcast_in_dim3A_50 {strides = array<i32>} : memref<1x128xf32, #tpu.memory_space<vmem>>, vector<1x128xf32>,
    } else {
    }
    %get3A_41 = arith.constant 0 : index
    %get3A_42 = arith.constant 0 : index
    %get3A_43 = vector.load %arg9[%get3A_41, %get3A_42] : memref<1x128xf32, #tpu.memory_space<vmem>>, vector<1x128xf32>
    %reduce_sum3A = arith.constant dense<0.000000e+00> : vector<128xf32>
    %reduce_sum3A_44 = vector.multi_reduction <add>, %max3A_31, %reduce_sum3A [0] : vector<1000x128xf32> to vector<128xf32>
    %broadcast_in_dim3A = vector.shape_cast %reduce_sum3A_44 : vector<128xf32> to vector<1x128xf32>
    %add3A_45 = arith.addf %get3A_43, %broadcast_in_dim3A : vector<1x128xf32>
    %swap3A_46 = arith.constant 0 : index
    %swap3A_47 = arith.constant 0 : index
    %swap3A_48 = vector.load %arg9[%swap3A_46, %swap3A_47] : memref<1x128xf32, #tpu.memory_space<vmem>>, vector<1x128xf32>
    tpu.vector_store %arg9[%swap3A_46, %swap3A_47], %add3A_45 {strides = array<i32>} : memref<1x128xf32, #tpu.memory_space<vmem>>, vector<1x128xf32>,
    return
  }
  func.func @transform_0(%arg0: i32) -> (i32, i32) {
    %c0_i32 = arith.constant 0 : i32
    %c0_i32_0 = arith.constant 0 : i32
    return %arg0, %c0_i32 : i32, i32
  }
  func.func @transform_1(%arg0: i32) -> (i32, i32, i32) {
    %c0_i32 = arith.constant 0 : i32
    %c0_i32_0 = arith.constant 0 : i32
    %c0_i32_1 = arith.constant 0 : i32
    return %c0_i32, %arg0, %c0_i32_0 : i32, i32, i32
  }
  func.func @transform_2(%arg0: i32) -> (i32, i32, i32) {
    %c1_i32 = arith.constant 1 : i32
    %c0_i32 = arith.constant 0 : i32
    %c0_i32_0 = arith.constant 0 : i32
    return %c1_i32, %arg0, %c0_i32 : i32, i32, i32
  }
  func.func @transform_3(%arg0: i32) -> (i32, i32) {
    %c0_i32 = arith.constant 0 : i32
    %c0_i32_0 = arith.constant 0 : i32
    %c0_i32_1 = arith.constant 0 : i32
    return %c0_i32, %c0_i32_0 : i32, i32
  }
  func.func @transform_4(%arg0: i32) -> (i32, i32) {
    %c0_i32 = arith.constant 0 : i32
    %c0_i32_0 = arith.constant 0 : i32
    %c0_i32_1 = arith.constant 0 : i32
    return %c0_i32, %c0_i32_0 : i32, i32
  }
  func.func @transform_5(%arg0: i32) -> (i32, i32) {
    %c0_i32 = arith.constant 0 : i32
    %c0_i32_0 = arith.constant 0 : i32
    %c0_i32_1 = arith.constant 0 : i32
    return %c0_i32, %c0_i32_0 : i32, i32
  }
  func.func @transform_6(%arg0: i32) -> (i32, i32) {
    %c0_i32 = arith.constant 0 : i32
    %c0_i32_0 = arith.constant 0 : i32
    %c0_i32_1 = arith.constant 0 : i32
    return %c0_i32, %c0_i32_0 : i32, i32
  }
  func.func @transform_7(%arg0: i32) -> (i32, i32) {
    %c0_i32 = arith.constant 0 : i32
    %c0_i32_0 = arith.constant 0 : i32
    return %arg0, %c0_i32 : i32, i32
  }
  func.func @transform_8(%arg0: i32) -> (i32, i32) {
    %c0_i32 = arith.constant 0 : i32
    %c0_i32_0 = arith.constant 0 : i32
    %c0_i32_1 = arith.constant 0 : i32
    return %c0_i32, %c0_i32_0 : i32, i32
  }
}

module attributes {stable_mosaic.version = 14 : i64} {
  func.func @_final_body(%arg0: i32, %arg1: memref<1000x128xf32, #tpu.memory_space<vmem>>, %arg2: memref<1x162xf32, #tpu.memory_space<vmem>>, %arg3: memref<1x128xf32, #tpu.memory_space<vmem>>, %arg4: memref<1x128xf32, #tpu.memory_space<vmem>>, %arg5: memref<128x162xf32, #tpu.memory_space<vmem>>, %arg6: memref<1x128xf32, #tpu.memory_space<vmem>>, %arg7: memref<128x128xf32, #tpu.memory_space<vmem>>, %arg8: memref<1x128xf32, #tpu.memory_space<vmem>>, %arg9: memref<128x128xf32, #tpu.memory_space<vmem>>, %arg10: memref<1x128xf32, #tpu.memory_space<vmem>>, %arg11: memref<128x128xf32, #tpu.memory_space<vmem>>, %arg12: memref<1x128xf32, #tpu.memory_space<vmem>>, %arg13: memref<1000x128xf32, #tpu.memory_space<vmem>>) attributes {dimension_semantics = [#tpu.dimension_semantics<arbitrary>], iteration_bounds = array<i64: 10>, scalar_prefetch = 0 : i64, scratch_operands = 0 : i64, tpu.core_type = #tpu.core_type<tc>, window_params = [{transform_indices = @transform_0, window_bounds = array<i64: 1000, 128>}, {pipeline_mode = #tpu.pipeline_mode<synchronous>, transform_indices = @transform_1, window_bounds = array<i64: 1, 162>}, {pipeline_mode = #tpu.pipeline_mode<synchronous>, transform_indices = @transform_2, window_bounds = array<i64: 1, 128>}, {pipeline_mode = #tpu.pipeline_mode<synchronous>, transform_indices = @transform_3, window_bounds = array<i64: 1, 128>}, {pipeline_mode = #tpu.pipeline_mode<synchronous>, transform_indices = @transform_4, window_bounds = array<i64: 128, 162>}, {pipeline_mode = #tpu.pipeline_mode<synchronous>, transform_indices = @transform_5, window_bounds = array<i64: 1, 128>}, {pipeline_mode = #tpu.pipeline_mode<synchronous>, transform_indices = @transform_6, window_bounds = array<i64: 128, 128>}, {pipeline_mode = #tpu.pipeline_mode<synchronous>, transform_indices = @transform_7, window_bounds = array<i64: 1, 128>}, {pipeline_mode = #tpu.pipeline_mode<synchronous>, transform_indices = @transform_8, window_bounds = array<i64: 128, 128>}, {pipeline_mode = #tpu.pipeline_mode<synchronous>, transform_indices = @transform_9, window_bounds = array<i64: 1, 128>}, {pipeline_mode = #tpu.pipeline_mode<synchronous>, transform_indices = @transform_10, window_bounds = array<i64: 128, 128>}, {pipeline_mode = #tpu.pipeline_mode<synchronous>, transform_indices = @transform_11, window_bounds = array<i64: 1, 128>}, {transform_indices = @transform_12, window_bounds = array<i64: 1000, 128>}]} {
    %get3A = arith.constant 0 : index
    %get3A_0 = arith.constant 0 : index
    %get3A_1 = vector.load %arg2[%get3A, %get3A_0] : memref<1x162xf32, #tpu.memory_space<vmem>>, vector<1x162xf32>
    %get3A_2 = arith.constant 0 : index
    %get3A_3 = arith.constant 0 : index
    %get3A_4 = vector.load %arg5[%get3A_2, %get3A_3] : memref<128x162xf32, #tpu.memory_space<vmem>>, vector<128x162xf32>
    %dot_general3A = arith.constant dense<0.000000e+00> : vector<1x128xf32>
    %dot_general3A_5 = tpu.matmul %get3A_1, %get3A_4, %dot_general3A {dimension_numbers = #tpu.dot_dimension_numbers<[1], [1], [0], [0], [0, 0, 1, 0], [], []>, transpose_lhs_hint = false} : vector<1x162xf32>, vector<128x162xf32>, vector<1x128xf32> -> vector<1x128xf32>
    %get3A_6 = arith.constant 0 : index
    %get3A_7 = arith.constant 0 : index
    %get3A_8 = vector.load %arg6[%get3A_6, %get3A_7] : memref<1x128xf32, #tpu.memory_space<vmem>>, vector<1x128xf32>
    %add3A = arith.addf %dot_general3A_5, %get3A_8 : vector<1x128xf32>
    %max3A = arith.constant 0.000000e+00 : f32
    %max3A_9 = vector.broadcast %max3A : f32 to vector<1x128xf32>
    %max3A_10 = arith.maximumf %add3A, %max3A_9 : vector<1x128xf32>
    %get3A_11 = arith.constant 0 : index
    %get3A_12 = arith.constant 0 : index
    %get3A_13 = vector.load %arg3[%get3A_11, %get3A_12] : memref<1x128xf32, #tpu.memory_space<vmem>>, vector<1x128xf32>
    %get3A_14 = arith.constant 0 : index
    %get3A_15 = arith.constant 0 : index
    %get3A_16 = vector.load %arg7[%get3A_14, %get3A_15] : memref<128x128xf32, #tpu.memory_space<vmem>>, vector<128x128xf32>
    %dot_general3A_17 = arith.constant dense<0.000000e+00> : vector<1x128xf32>
    %dot_general3A_18 = tpu.matmul %get3A_13, %get3A_16, %dot_general3A_17 {dimension_numbers = #tpu.dot_dimension_numbers<[1], [1], [0], [0], [0, 0, 1, 0], [], []>, transpose_lhs_hint = false} : vector<1x128xf32>, vector<128x128xf32>, vector<1x128xf32> -> vector<1x128xf32>
    %get3A_19 = arith.constant 0 : index
    %get3A_20 = arith.constant 0 : index
    %get3A_21 = vector.load %arg8[%get3A_19, %get3A_20] : memref<1x128xf32, #tpu.memory_space<vmem>>, vector<1x128xf32>
    %add3A_22 = arith.addf %dot_general3A_18, %get3A_21 : vector<1x128xf32>
    %max3A_23 = arith.constant 0.000000e+00 : f32
    %max3A_24 = vector.broadcast %max3A_23 : f32 to vector<1x128xf32>
    %max3A_25 = arith.maximumf %add3A_22, %max3A_24 : vector<1x128xf32>
    %get3A_26 = arith.constant 0 : index
    %get3A_27 = arith.constant 0 : index
    %get3A_28 = vector.load %arg4[%get3A_26, %get3A_27] : memref<1x128xf32, #tpu.memory_space<vmem>>, vector<1x128xf32>
    %get3A_29 = arith.constant 0 : index
    %get3A_30 = arith.constant 0 : index
    %get3A_31 = vector.load %arg9[%get3A_29, %get3A_30] : memref<128x128xf32, #tpu.memory_space<vmem>>, vector<128x128xf32>
    %dot_general3A_32 = arith.constant dense<0.000000e+00> : vector<1x128xf32>
    %dot_general3A_33 = tpu.matmul %get3A_28, %get3A_31, %dot_general3A_32 {dimension_numbers = #tpu.dot_dimension_numbers<[1], [1], [0], [0], [0, 0, 1, 0], [], []>, transpose_lhs_hint = false} : vector<1x128xf32>, vector<128x128xf32>, vector<1x128xf32> -> vector<1x128xf32>
    %get3A_34 = arith.constant 0 : index
    %get3A_35 = arith.constant 0 : index
    %get3A_36 = vector.load %arg10[%get3A_34, %get3A_35] : memref<1x128xf32, #tpu.memory_space<vmem>>, vector<1x128xf32>
    %add3A_37 = arith.addf %dot_general3A_33, %get3A_36 : vector<1x128xf32>
    %max3A_38 = arith.constant 0.000000e+00 : f32
    %max3A_39 = vector.broadcast %max3A_38 : f32 to vector<1x128xf32>
    %max3A_40 = arith.maximumf %add3A_37, %max3A_39 : vector<1x128xf32>
    %add3A_41 = arith.addf %max3A_10, %max3A_25 : vector<1x128xf32>
    %add3A_42 = arith.addf %add3A_41, %max3A_40 : vector<1x128xf32>
    %get3A_43 = arith.constant 0 : index
    %get3A_44 = arith.constant 0 : index
    %get3A_45 = vector.load %arg11[%get3A_43, %get3A_44] : memref<128x128xf32, #tpu.memory_space<vmem>>, vector<128x128xf32>
    %dot_general3A_46 = arith.constant dense<0.000000e+00> : vector<1x128xf32>
    %dot_general3A_47 = tpu.matmul %add3A_42, %get3A_45, %dot_general3A_46 {dimension_numbers = #tpu.dot_dimension_numbers<[1], [1], [0], [0], [0, 0, 1, 0], [], []>, transpose_lhs_hint = false} : vector<1x128xf32>, vector<128x128xf32>, vector<1x128xf32> -> vector<1x128xf32>
    %get3A_48 = arith.constant 0 : index
    %get3A_49 = arith.constant 0 : index
    %get3A_50 = vector.load %arg12[%get3A_48, %get3A_49] : memref<1x128xf32, #tpu.memory_space<vmem>>, vector<1x128xf32>
    %add3A_51 = arith.addf %dot_general3A_47, %get3A_50 : vector<1x128xf32>
    %max3A_52 = arith.constant 0.000000e+00 : f32
    %max3A_53 = vector.broadcast %max3A_52 : f32 to vector<1x128xf32>
    %max3A_54 = arith.maximumf %add3A_51, %max3A_53 : vector<1x128xf32>
    %get3A_55 = arith.constant 0 : index
    %get3A_56 = arith.constant 0 : index
    %get3A_57 = vector.load %arg1[%get3A_55, %get3A_56] : memref<1000x128xf32, #tpu.memory_space<vmem>>, vector<1000x128xf32>
    %add3A_58 = vector.broadcast %max3A_54 : vector<1x128xf32> to vector<1000x128xf32>
    %add3A_59 = arith.addf %get3A_57, %add3A_58 : vector<1000x128xf32>
    %swap3A = arith.constant 0 : index
    %swap3A_60 = arith.constant 0 : index
    %swap3A_61 = vector.load %arg13[%swap3A, %swap3A_60] : memref<1000x128xf32, #tpu.memory_space<vmem>>, vector<1000x128xf32>
    tpu.vector_store %arg13[%swap3A, %swap3A_60], %add3A_59 {strides = array<i32>} : memref<1000x128xf32, #tpu.memory_space<vmem>>, vector<1000x128xf32>,
    return
  }
  func.func @transform_0(%arg0: i32) -> (i32, i32) {
    %c0_i32 = arith.constant 0 : i32
    %c0_i32_0 = arith.constant 0 : i32
    return %arg0, %c0_i32 : i32, i32
  }
  func.func @transform_1(%arg0: i32) -> (i32, i32) {
    %c0_i32 = arith.constant 0 : i32
    %c0_i32_0 = arith.constant 0 : i32
    %c0_i32_1 = arith.constant 0 : i32
    return %c0_i32, %c0_i32_0 : i32, i32
  }
  func.func @transform_2(%arg0: i32) -> (i32, i32) {
    %c0_i32 = arith.constant 0 : i32
    %c0_i32_0 = arith.constant 0 : i32
    %c0_i32_1 = arith.constant 0 : i32
    return %c0_i32, %c0_i32_0 : i32, i32
  }
  func.func @transform_3(%arg0: i32) -> (i32, i32) {
    %c0_i32 = arith.constant 0 : i32
    %c0_i32_0 = arith.constant 0 : i32
    %c0_i32_1 = arith.constant 0 : i32
    return %c0_i32, %c0_i32_0 : i32, i32
  }
  func.func @transform_4(%arg0: i32) -> (i32, i32) {
    %c0_i32 = arith.constant 0 : i32
    %c0_i32_0 = arith.constant 0 : i32
    %c0_i32_1 = arith.constant 0 : i32
    return %c0_i32, %c0_i32_0 : i32, i32
  }
  func.func @transform_5(%arg0: i32) -> (i32, i32) {
    %c0_i32 = arith.constant 0 : i32
    %c0_i32_0 = arith.constant 0 : i32
    %c0_i32_1 = arith.constant 0 : i32
    return %c0_i32, %c0_i32_0 : i32, i32
  }
  func.func @transform_6(%arg0: i32) -> (i32, i32) {
    %c0_i32 = arith.constant 0 : i32
    %c0_i32_0 = arith.constant 0 : i32
    %c0_i32_1 = arith.constant 0 : i32
    return %c0_i32, %c0_i32_0 : i32, i32
  }
  func.func @transform_7(%arg0: i32) -> (i32, i32) {
    %c0_i32 = arith.constant 0 : i32
    %c0_i32_0 = arith.constant 0 : i32
    %c0_i32_1 = arith.constant 0 : i32
    return %c0_i32, %c0_i32_0 : i32, i32
  }
  func.func @transform_8(%arg0: i32) -> (i32, i32) {
    %c0_i32 = arith.constant 0 : i32
    %c0_i32_0 = arith.constant 0 : i32
    %c0_i32_1 = arith.constant 0 : i32
    return %c0_i32, %c0_i32_0 : i32, i32
  }
  func.func @transform_9(%arg0: i32) -> (i32, i32) {
    %c0_i32 = arith.constant 0 : i32
    %c0_i32_0 = arith.constant 0 : i32
    %c0_i32_1 = arith.constant 0 : i32
    return %c0_i32, %c0_i32_0 : i32, i32
  }
  func.func @transform_10(%arg0: i32) -> (i32, i32) {
    %c0_i32 = arith.constant 0 : i32
    %c0_i32_0 = arith.constant 0 : i32
    %c0_i32_1 = arith.constant 0 : i32
    return %c0_i32, %c0_i32_0 : i32, i32
  }
  func.func @transform_11(%arg0: i32) -> (i32, i32) {
    %c0_i32 = arith.constant 0 : i32
    %c0_i32_0 = arith.constant 0 : i32
    %c0_i32_1 = arith.constant 0 : i32
    return %c0_i32, %c0_i32_0 : i32, i32
  }
  func.func @transform_12(%arg0: i32) -> (i32, i32) {
    %c0_i32 = arith.constant 0 : i32
    %c0_i32_0 = arith.constant 0 : i32
    return %arg0, %c0_i32 : i32, i32
  }
}

</mosaic_0001>

<sc_bundles>
// kernel: _run.11.cloned.1.call-start
scs
__scs_entry_jumppad:
0x0: {  	(pc) =	sbr.rel $0x88, $3  }
0x1: {  	(tag) =	ssettag $0x0;
	lr =	simm.s32 $0x1  }
0x2: {  	[smem:$0x3F8E] =	sst lr;
	_ =	strace $0xD0000000  }
0x3: {  	_ = 	snop  }
0x4: {  	_ = 	snop  }
0x5: {  	_ = 	snop  }
0x6: {  	_ = 	snop  }
0x7: {  	_ = 	snop  }
__scs_overlays_trampoline_lowered:
0x8: {  	[smem:$0x3F9D] =	sst s0  }
0x9: {  	[smem:$0x3F9E] =	sst s1  }
0xa: {  	[smem:$0x3F9F] =	sst s2  }
0xb: {  	[smem:$0x3FA0] =	sst s3  }
0xc: {  	[smem:$0x3FA1] =	sst s4  }
0xd: {  	[smem:$0x3FA2] =	sst s5  }
0xe: {  	[smem:$0x3FA3] =	sst s6  }
0xf: {  	[smem:$0x3FA4] =	sst s7  }
0x10: {  	[smem:$0x3FA5] =	sst s8  }
0x11: {  	[smem:$0x3FA6] =	sst s9;
	s0 =	simm.s32 @!p0 $0x0  }
0x12: {  	s1 =	sld [smem:$0x3F8C];
	s0 =	simm.s32 @p0 $0x1  }
0x13: {  	[smem:$0x3FA7] =	sst s0;
	s0 =	simm.s32 @!p1 $0x0  }
0x14: {  	s2 =	sld [smem:$0x3F8B];
	s0 =	simm.s32 @p1 $0x1  }
0x15: {  	[smem:$0x3FA8] =	sst s0;
	s0 =	simm.s32 @!p2 $0x0  }
0x16: {  	s3 =	sld [smem:$0x3FDB];
	s0 =	simm.s32 @p2 $0x1  }
0x17: {  	s4 =	simm.s32 $0x1BF5;
	[smem:$0x3FAA] =	sst s0  }
0x18: {  	s0 =	sld [smem:$0x3F8D];
	_ =	swait.ge [sflag:s4], $0x0  }
0x19: {  	s7 =	sld [smem:$0x3F8E]  }
0x1a: {  	s8 =	sadd.s32 $0xFFFFE003, lr  }
0x1b: {  	s9 =	sadd.s32 $0xFFFFFEF7, lr;
	s5 =	simm.s32 $0xFFFFFFFF;
	p2 =	slt.u32 s8, $0xFFFFF086  }
0x1c: {  	p1 =	slt.u32 s9, $0xF7A;
	s5 =	simm.s32 @!p2 $0x0  }
0x1d: {  	s5 =	simm.s32 @p1 $0x1;
	p0 =	seq.s32 s7, s2  }
0x1e: {  	s7 =	smul.u32 @!p0 $0xF7A, s2;
	p2 =	seq.s32 @!p0 s5, $0x0  }
0x1f: {  	s9 =	smul.u32 $0xF7A, s1;
	s8 =	simm.s32 @!p0 $0x1BF5;
	p2 =	por !p2, p0  }
0x20: {  	[sflag:s8] =	ssyncset.s32 @!p0 $0xFFFFF086;
	s6 =	sadd.s32 @!p0 s3, s7;
	s7 =	simm.s32 @!p0 $0x108  }
0x21: {  	s3 =	sadd.s32 s3, s9;
	s6 =	sadd.s32 @!p0 $0x88, s6;
	s7 =	simm.s32 @p2 $0x1082  }
0x22: {  	[simem:s7], [sflag:s8] =	dma.local @!p0 [hbm:s6], $0xF7A  }
0x23: {  	s9 =	sor.u32 $0xD0000000, s2;
	s6 =	simm.s32 $0x108;
	_ =	swait.ge @!p0 [sflag:s8], $0x0  }
0x24: {  	s3 =	sadd.s32 $0x88, s3;
	s6 =	simm.s32 @!p1 $0x1082;
	[sflag:s4] =	ssyncset.s32 $0xFFFFF086  }
0x25: {  	[simem:s6], [sflag:s4] =	dma.local [hbm:s3], $0xF7A  }
0x26: {  	[smem:$0x3F8E] =	sst s1;
	(tag) =	ssettag s2;
	_ =	strace s9  }
0x27: {  	s1 =	sld [smem:$0x3F9E]  }
0x28: {  	s2 =	sld [smem:$0x3F9F]  }
0x29: {  	s4 =	sld [smem:$0x3FA1]  }
0x2a: {  	p0 =	seq.s32 s5, $0x0;
	s5 =	sld [smem:$0x3FA2]  }
0x2b: {  	s6 =	sld [smem:$0x3FA3]  }
0x2c: {  	s7 =	sld [smem:$0x3FA4]  }
0x2d: {  	s3 =	simm.s32 $0x108;
	s8 =	sld [smem:$0x3FA5]  }
0x2e: {  	s3 =	simm.s32 @!p0 $0x1082;
	s9 =	sld [smem:$0x3FA6]  }
0x2f: {  	lr =	sadd.s32 s0, s3;
	s0 =	sld [smem:$0x3F9D]  }
0x30: {  	s3 =	sld [smem:$0x3FA0]  }
0x31: {  	[smem:$0x3FA9] =	sst s10  }
0x32: {  	s10 =	sld [smem:$0x3FA7];
	_ =	sdelay $0x3  }
0x33: {  	p0 =	seq.s32 s10, $0x1;
	s10 =	sld [smem:$0x3FA9];
	_ =	sdelay $0x3  }
0x34: {  	[smem:$0x3FA9] =	sst s10  }
0x35: {  	s10 =	sld [smem:$0x3FA8];
	_ =	sdelay $0x3  }
0x36: {  	p1 =	seq.s32 s10, $0x1;
	s10 =	sld [smem:$0x3FA9];
	_ =	sdelay $0x3  }
0x37: {  	[smem:$0x3FA9] =	sst s10  }
0x38: {  	s10 =	sld [smem:$0x3FAA]  }
0x39: {  	_ = 	snop;
	(pc) =	sbr.ind lr, $3  }
0x3a: {  	_ = 	snop  }
0x3b: {  	_ = 	snop  }
0x3c: {  	p2 =	seq.s32 s10, $0x1;
	s10 =	sld [smem:$0x3FA9]  }
0x3d: {  	_ =	shalt  }
0x3e: {  	_ =	shalt  }
0x3f: {  	_ =	shalt  }
0x40: {  	_ =	shalt  }
0x41: {  	_ =	shalt  }
0x42: {  	_ =	shalt  }
0x43: {  	_ =	shalt  }
0x44: {  	_ =	shalt  }
0x45: {  	_ =	shalt  }
0x46: {  	_ =	shalt  }
0x47: {  	_ =	shalt  }
0x48: {  	_ =	shalt  }
0x49: {  	_ =	shalt  }
0x4a: {  	_ =	shalt  }
0x4b: {  	_ =	shalt  }
0x4c: {  	_ =	shalt  }
0x4d: {  	_ =	shalt  }
0x4e: {  	_ =	shalt  }
0x4f: {  	_ =	shalt  }
0x50: {  	_ =	shalt  }
0x51: {  	_ =	shalt  }
0x52: {  	_ =	shalt  }
0x53: {  	_ =	shalt  }
0x54: {  	_ =	shalt  }
0x55: {  	_ =	shalt  }
0x56: {  	_ =	shalt  }
0x57: {  	_ =	shalt  }
0x58: {  	_ =	shalt  }
0x59: {  	_ =	shalt  }
0x5a: {  	_ =	shalt  }
0x5b: {  	_ =	shalt  }
0x5c: {  	_ =	shalt  }
0x5d: {  	_ =	shalt  }
0x5e: {  	_ =	shalt  }
0x5f: {  	_ =	shalt  }
0x60: {  	_ =	shalt  }
0x61: {  	_ =	shalt  }
0x62: {  	_ =	shalt  }
0x63: {  	_ =	shalt  }
0x64: {  	_ =	shalt  }
0x65: {  	_ =	shalt  }
0x66: {  	_ =	shalt  }
0x67: {  	_ =	shalt  }
0x68: {  	_ =	shalt  }
0x69: {  	_ =	shalt  }
0x6a: {  	_ =	shalt  }
0x6b: {  	_ =	shalt  }
0x6c: {  	_ =	shalt  }
0x6d: {  	_ =	shalt  }
0x6e: {  	_ =	shalt  }
0x6f: {  	_ =	shalt  }
0x70: {  	_ =	shalt  }
0x71: {  	_ =	shalt  }
0x72: {  	_ =	shalt  }
0x73: {  	_ =	shalt  }
0x74: {  	_ =	shalt  }
0x75: {  	_ =	shalt  }
0x76: {  	_ =	shalt  }
0x77: {  	_ =	shalt  }
0x78: {  	_ =	shalt  }
0x79: {  	_ =	shalt  }
0x7a: {  	_ =	shalt  }
0x7b: {  	_ =	shalt  }
0x7c: {  	_ =	shalt  }
0x7d: {  	_ =	shalt  }
0x7e: {  	_ =	shalt  }
0x7f: {  	_ =	shalt  }
0x80: {  	_ =	shalt  }
0x81: {  	_ =	shalt  }
0x82: {  	_ =	shalt  }
0x83: {  	_ =	shalt  }
0x84: {  	_ =	shalt  }
0x85: {  	_ =	shalt  }
0x86: {  	_ =	shalt  }
0x87: {  	_ =	shalt  }
.Lfunc_end0:
.L_simem_size_0:
called_computation.1_lowered:
.L_overlay_start_0:
0x88: {  	s2 =	sld [smem:$0x3FD9]  }
0x89: {  	s3 =	sld [smem:$0x3FFE];
	_ =	sdelay $0x1  }
0x8a: {  	s1 =	srdreg.scid  }
0x8b: {  	s0 =	sand.u32 $0x1, s1  }
0x8c: {  	s17 =	sshll.u32 s0, $0xA;
	s2 =	sadd.s32 s3, s2  }
0x8d: {  	s2 =	sadd.s32 s2, s17  }
0x8e: {  	[smem:$0x3FB5] =	sst s2  }
0x8f: {  	_ = 	snop  }
0x90: {  	s2 =	sld [smem:$0x3FC8]  }
0x91: {  	s18 =	sld [smem:$0x3FC7]  }
0x92: {  	s4 =	sld [smem:$0x3FD0];
	(tm) =	ssettm $0x1  }
0x93: {  	s5 =	sld [smem:$0x3FFB];
	_ =	sdelay $0x3  }
0x94: {  	_ =	strace s5  }
0x95: {  	s5 =	sld [smem:$0x3FFC];
	_ =	sdelay $0x3  }
0x96: {  	_ =	strace s5  }
0x97: {  	s5 =	sld [smem:$0x3FFD];
	_ =	sdelay $0x3  }
0x98: {  	_ =	strace s5  }
0x99: {  	_ =	strace $0x8FFFFFFF  }
0x9a: {  	s19 =	sld [smem:$0x3FDB];
	_ =	sdelay $0x1  }
0x9b: {  	s6 =	simm.s32 $_scs_section_size  }
0x9c: {  	s7 =	simm.s32 $_size__tile_overlayer_lowered;
	s8 =	simm.s32 $_tile_overlayer_lowered  }
0x9d: {  	s22 =	simm.s32 $0x1BFF;
	s21 =	sshll.u32 s8, $0x1;
	s5 =	sadd.s32 s6, s19  }
0x9e: {  	s9 =	simm.s32 $0x0;
	s20 =	sshll.u32 s7, $0x1;
	s7 =	sadd.s32 s21, s5  }
0x9f: {  	[timem:s9], [sflag:s22] =	dma.local [hbm:s7], s20  }
0xa0: {  	_ =	swait.ge [sflag:s22], s20  }
0xa1: {  	s6 =	ssub.s32 $0x0, s20;
	[sflag:s22] =	ssyncset.done $0x0  }
0xa2: {  	[sflag:s22] =	ssyncadd.s32 s6;
	_ =	sdelay $0x1  }
0xa3: {  	s23 =	simm.s32 $0x1B8B  }
0xa4: {  	_ =	swait.ge [sflag:s23], $0x1  }
0xa5: {  	[sflag:s23] =	ssyncset.done $0x0  }
0xa6: {  	s25 =	simm.s32 $0x1B8E;
	s24 =	sld [smem:$0x3FFE];
	[sflag:s23] =	ssyncadd.s32 $0xFFFFFFFF  }
0xa7: {  	s26 =	simm.s32 $execute0_lowered;
	[smem:$0x3FD2] =	sst s25  }
0xa8: {  	s7 =	sshll.u32 s26, $0x1;
	_ =	strace $0x80000049;
	[dreg:$0x1] =	wrdreg $0xFFFFFFFF  }
0xa9: {  	s28 =	simm.s32 $_size_execute0_lowered;
	s5 =	sadd.s32 s5, s7;
	[dreg:$0x0] =	wrdreg $0x0  }
0xaa: {  	s7 =	sshll.u32 s28, $0x1;
	[dreg:$0x2] =	wrdreg s5  }
0xab: {  	[dreg:$0x3] =	wrdreg s7  }
0xac: {  	[dreg:$0x4] =	wrdreg $0xC0  }
0xad: {  	_ =	task [dreg:s9], $0x5FFFF  }
0xae: {  	[dreg:$0x1] =	wrdreg $0xFFFFFFFF  }
0xaf: {  	[dreg:$0x0] =	wrdreg $0x60  }
0xb0: {  	[dreg:$0x2] =	wrdreg s4  }
0xb1: {  	[dreg:$0x3] =	wrdreg s2  }
0xb2: {  	[dreg:$0x4] =	wrdreg s18  }
0xb3: {  	[dreg:$0x5] =	wrdreg s24  }
0xb4: {  	[dreg:$0x6] =	wrdreg $0xA2000  }
0xb5: {  	[dreg:$0x7] =	wrdreg $0x9  }
0xb6: {  	_ =	task.clear_ibuf [dreg:s9], $0x8FFFF;
	_ =	strace $0x90000049  }
0xb7: {  	s29 =	simm.s32 $0x9;
	_ =	strace $0x8000004B  }
0xb8: {  	_ =	swait.ge [sflag:s29], $0x1  }
0xb9: {  	[sflag:s29] =	ssyncadd.s32 $0xFFFFFFFF  }
0xba: {  	_ =	strace $0x9000004B  }
0xbb: {  	_ =	sfence  }
0xbc: {  	s30 =	sld [smem:$0x0];
	_ =	sdelay $0x2  }
0xbd: {  	s31 =	sshll.u32 s1, $0xD;
	s1 =	sshrl.u32 s1, $0x2  }
0xbe: {  	s3 =	sand.u32 $0x4000, s31;
	s1 =	sadd.s32 s1, s30  }
0xbf: {  	s0 =	sor.u32 s3, s0;
	s1 =	sshll.u32 s1, $0x11  }
0xc0: {  	s0 =	sor.u32 s1, s0  }
0xc1: {  	s0 =	sadd.s32 $0x8F2B, s0  }
0xc2: {  	[sflag:s0] =	ssyncadd.remote.s32 $0x1  }
0xc3: {  	_ =	sfence.sel $0xFFFF  }
0xc4: {  	[dreg:$0x0] =	wrdreg $0xFFFFFFFF;
	(pc) =	sbr.abs _section_cstart, $3  }
0xc5: {  	[dreg:$0x1] =	wrdreg $0xFFFFFFFF  }
0xc6: {  	_ =	task.clear_ibuf [dreg:s9], $0x2FFFF;
	_ =	strace $0x9FFFFFFF  }
0xc7: {  	(tm) =	ssettm $0x7FFFFFFF  }
tec
execute0_lowered:
.L_overlay_start_1:
0x0: {  	(tag) =	ssettag $0x1  }
0x1: {  	s0 =	srdreg.scid;
	s2 =	rddreg [dreg:$0x1]  }
0x2: {  	s21 =	stileid.u32;
	s3 =	rddreg [dreg:$0x2]  }
0x3: {  	s4 =	rddreg [dreg:$0x3];
	s11 =	smul.u32 $0x280, s21  }
0x4: {  	s28 =	simm.s32 $0x3;
	s0 =	sand.u32 $0x1, s0;
	s26 =	smul.u32 $0x2800, s21  }
0x5: {  	s29 =	simm.s32 $0x2;
	s1 =	sshll.u32 s21, $0x1;
	s6 =	smul.u32 $0x28000, s0  }
0x6: {  	s1 =	sor.u32 s0, s1;
	s7 =	ssub.s32 $0x2, s0;
	s0 =	smul.u32 $0x2800, s0  }
0x7: {  	s30 =	simm.s32 $0x4200;
	s31 =	simm.s32 $0x4;
	s5 =	smul.u32 $0x2800, s1  }
0x8: {  	s1 =	simm.s32 $0x0;
	s8 =	sshrl.u32 s7, $0x1;
	s12 =	sor.u32 $0x40, s11  }
0x9: {  	s14 =	sadd.s32 $0x80, s11;
	s16 =	sadd.s32 $0xC0, s11;
	s17 =	sadd.s32 $0x100, s11  }
0xa: {  	s20 =	sadd.s32 $0x140, s11;
	s22 =	sadd.s32 $0x180, s11;
	[smem:$0x7FF] =	sst s1  }
0xb: {  	s4 =	sadd.s32 s6, s4;
	s10 =	ssub.s32 s7, s8;
	s8 =	smul.u32 $0x5000, s21  }
0xc: {  	s13 =	sshll.u32 s12, $0x4;
	s15 =	sshll.u32 s14, $0x4;
	s18 =	sshll.u32 s16, $0x4  }
0xd: {  	s19 =	sshll.u32 s17, $0x4;
	s5 =	sshrl.u32 s5, $0x3;
	s4 =	sadd.s32 $0x3A00, s4  }
0xe: {  	s10 =	smax.u32 s10, $0x1;
	s23 =	sadd.s32 s2, s5;
	s24 =	sadd.s32 s3, s5  }
0xf: {  	s5 =	sor.u32 $0x10, s5;
	s0 =	sadd.s32 s0, s8;
	[dreg:$0x6] =	wrdreg s23  }
0x10: {  	[dreg:$0x7] =	wrdreg s24;
	s25 =	sadd.s32 s2, s5;
	s5 =	sadd.s32 s3, s5  }
0x11: {  	s6 =	sor.u32 $0x180, s0;
	s24 =	sadd.s32 $0x1C0, s11;
	s0 =	sor.u32 $0x100, s0  }
0x12: {  	s23 =	sadd.s32 s13, s4;
	s13 =	sshll.u32 s22, $0x4;
	[dreg:$0x8] =	wrdreg s25  }
0x13: {  	[dreg:$0x9] =	wrdreg s5;
	s9 =	sshrl.u32 s6, $0x3;
	s0 =	sshrl.u32 s0, $0x3  }
0x14: {  	[dreg:$0xb] =	wrdreg s23;
	s25 =	sadd.s32 s15, s4;
	s5 =	sadd.s32 s19, s4  }
0x15: {  	s15 =	sshll.u32 s24, $0x4;
	s23 =	smul.u32 $0x50000, s21;
	s21 =	rddreg [dreg:$0x4]  }
0x16: {  	s6 =	sadd.s32 s9, s3;
	s7 =	sadd.s32 s9, s2;
	s8 =	sadd.s32 s0, s3  }
0x17: {  	s9 =	sadd.s32 s0, s2;
	s0 =	sadd.s32 $0x200, s11;
	[dreg:$0xc] =	wrdreg s25  }
0x18: {  	s2 =	sadd.s32 $0x240, s11;
	s11 =	sadd.s32 s26, s4;
	[dreg:$0xe] =	wrdreg s5  }
0x19: {  	s24 =	sshll.u32 s24, $0x7;
	s26 =	sadd.s32 s18, s4;
	[dreg:$0xa] =	wrdreg s11  }
0x1a: {  	s18 =	sadd.s32 s13, s4;
	s19 =	sadd.s32 s15, s4;
	[dreg:$0xd] =	wrdreg s26  }
0x1b: {  	s13 =	sshll.u32 s16, $0x7;
	s16 =	sshll.u32 s17, $0x7;
	[dreg:$0x10] =	wrdreg s18  }
0x1c: {  	s17 =	sshll.u32 s20, $0x7;
	s11 =	sshll.u32 s20, $0x4;
	[dreg:$0x11] =	wrdreg s19  }
0x1d: {  	s18 =	rddreg [dreg:$0x0];
	s25 =	sshll.u32 s0, $0x4;
	s3 =	sadd.s32 s11, s4  }
0x1e: {  	s26 =	sshll.u32 s2, $0x4;
	s5 =	sadd.s32 s25, s4;
	[dreg:$0xf] =	wrdreg s3  }
0x1f: {  	s15 =	sadd.s32 s13, s21;
	s4 =	sadd.s32 s26, s4;
	[dreg:$0x12] =	wrdreg s5  }
0x20: {  	s11 =	sshll.u32 s12, $0x7;
	s12 =	sshll.u32 s14, $0x7;
	[dreg:$0x13] =	wrdreg s4  }
0x21: {  	s14 =	sadd.s32 s12, s21;
	_ =	strace $0x8000004A;
	[dreg:$0x14] =	wrdreg s10  }
0x22: {  	s19 =	sshll.u32 s22, $0x7;
	s20 =	sadd.s32 s17, s21;
	[dreg:$0x16] =	wrdreg s14  }
0x23: {  	s0 =	sshll.u32 s0, $0x7;
	s2 =	sshll.u32 s2, $0x7;
	[dreg:$0x17] =	wrdreg s15  }
0x24: {  	s17 =	simm.s32 $0x80;
	s22 =	sadd.s32 s19, s21;
	[dreg:$0x19] =	wrdreg s20  }
0x25: {  	s0 =	sadd.s32 s0, s21;
	s25 =	sadd.s32 s2, s21;
	[dreg:$0x1a] =	wrdreg s22  }
0x26: {  	s19 =	simm.s32 $0x0;
	s3 =	sshrl.u32 s23, $0x2;
	[dreg:$0x1c] =	wrdreg s0  }
0x27: {  	s23 =	sadd.s32 s3, s21;
	s3 =	sadd.s32 s11, s21;
	[dreg:$0x1d] =	wrdreg s25  }
0x28: {  	s20 =	simm.s32 $0x180;
	s22 =	simm.s32 $0x8200;
	s25 =	simm.s32 $0x1  }
0x29: {  	[dreg:$0x15] =	wrdreg s3;
	s3 =	sadd.s32 s16, s21;
	s26 =	sadd.s32 $0x2000, s23  }
0x2a: {  	s4 =	sadd.s32 $0x4000, s23;
	s5 =	sadd.s32 $0x6000, s23;
	s10 =	sadd.s32 $0x8000, s23  }
0x2b: {  	s11 =	sadd.s32 $0xA000, s23;
	s12 =	sadd.s32 $0xC000, s23;
	s13 =	sadd.s32 $0xE000, s23  }
0x2c: {  	s14 =	sadd.s32 $0x10000, s23;
	s15 =	sadd.s32 $0x12000, s23;
	[dreg:$0x18] =	wrdreg s3  }
0x2d: {  	s16 =	simm.s32 $0x100;
	s3 =	sadd.s32 s24, s21;
	[dreg:$0x1e] =	wrdreg s26  }
0x2e: {  	v0 =	vimm.f32 $0.0e+00;
	s24 =	simm.s32 $0x5;
	s26 =	simm.s32 $0x200;
	[dreg:$0x1b] =	wrdreg s3  }
.LBB2_1:
0x2f: {  	s0 =	rddreg [dreg:$0x6]  }
0x30: {  	[tilespmem:s1], [sflag:$0x1] =	stream.linear.gather [hbm4b:s0+s1], $0x80, $0x38;
	[tilespmem:$0x1E200] =	vst v63  }
0x31: {  	s3 =	rddreg [dreg:$0x7]  }
0x32: {  	[tilespmem:s16], [sflag:$0x1] =	stream.linear.gather [hbm4b:s3+s1], $0x80, $0x38;
	[tilespmem:$0x1E200] =	vst v63  }
0x33: {  	s2 =	rddreg [dreg:$0x8]  }
0x34: {  	[tilespmem:s17], [sflag:$0x2] =	stream.linear.gather [hbm4b:s2+s1], $0x80, $0x38;
	[tilespmem:$0x1E200] =	vst v63  }
0x35: {  	s0 =	simm.s32 $0x0;
	s3 =	rddreg [dreg:$0x9];
	s2 =	simm.s32 $0x200  }
0x36: {  	[tilespmem:s20], [sflag:$0x2] =	stream.linear.gather [hbm4b:s3+s1], $0x80, $0x38;
	[tilespmem:$0x1E200] =	vst v63  }
.LBB2_2:
0x37: {  	p0 =	sne.s32 s2, $0x7E00;
	[tilespmem:s0+$0x8270] =	vst v0  }
0x38: {  	[tilespmem:s0+$0x8200] =	vst v0  }
0x39: {  	[tilespmem:s0+$0x8210] =	vst v0  }
.Ltmp0:
0x3a: {  	[tilespmem:s0+$0x8220] =	vst v0;
	(pc) =	sbr.rel @p0 .LBB2_2-.Ltmp0, $4  }
0x3b: {  	[tilespmem:s0+$0x8230] =	vst v0  }
0x3c: {  	[tilespmem:s0+$0x8240] =	vst v0  }
0x3d: {  	[tilespmem:s0+$0x8250] =	vst v0  }
0x3e: {  	[tilespmem:s0+$0x8260] =	vst v0;
	s0 =	sshra.s32 s2, $0x2;
	s2 =	sadd.s32 $0x200, s2  }
0x3f: {  	[tilespmem:s0+$0x8270] =	vst v0  }
0x40: {  	[tilespmem:s0+$0x8200] =	vst v0  }
0x41: {  	[tilespmem:s0+$0x8210] =	vst v0  }
0x42: {  	[tilespmem:s0+$0x8220] =	vst v0  }
0x43: {  	[tilespmem:s0+$0x8230] =	vst v0  }
0x44: {  	[tilespmem:s0+$0x8240] =	vst v0  }
0x45: {  	[tilespmem:s0+$0x8250] =	vst v0  }
0x46: {  	[tilespmem:s0+$0x8260] =	vst v0  }
0x47: {  	[spmem:s23] =	stream.linear.scatter [tilespmem:s22], [sflag:$0x5], $0x2000, $0x38;
	[tilespmem:$0x1E200] =	vst v63  }
0x48: {  	_ =	swait.ge [sflag:s24], $0x2000  }
0x49: {  	[sflag:s24] =	ssyncset.done $0x0  }
0x4a: {  	s3 =	rddreg [dreg:$0x1e];
	[sflag:s24] =	ssyncadd.s32 $0xFFFFE000  }
0x4b: {  	[spmem:s3] =	stream.linear.scatter [tilespmem:s22], [sflag:$0x5], $0x2000, $0x38;
	[tilespmem:$0x1E200] =	vst v63  }
0x4c: {  	_ =	swait.ge [sflag:s24], $0x2000  }
0x4d: {  	[sflag:s24] =	ssyncset.done $0x0  }
0x4e: {  	[sflag:s24] =	ssyncadd.s32 $0xFFFFE000  }
0x4f: {  	[spmem:s4] =	stream.linear.scatter [tilespmem:s22], [sflag:$0x5], $0x2000, $0x38;
	[tilespmem:$0x1E200] =	vst v63  }
0x50: {  	_ =	swait.ge [sflag:s24], $0x2000  }
0x51: {  	[sflag:s24] =	ssyncset.done $0x0  }
0x52: {  	[sflag:s24] =	ssyncadd.s32 $0xFFFFE000  }
0x53: {  	[spmem:s5] =	stream.linear.scatter [tilespmem:s22], [sflag:$0x5], $0x2000, $0x38;
	[tilespmem:$0x1E200] =	vst v63  }
0x54: {  	_ =	swait.ge [sflag:s24], $0x2000  }
0x55: {  	[sflag:s24] =	ssyncset.done $0x0  }
0x56: {  	[sflag:s24] =	ssyncadd.s32 $0xFFFFE000  }
0x57: {  	[spmem:s10] =	stream.linear.scatter [tilespmem:s22], [sflag:$0x5], $0x2000, $0x38;
	[tilespmem:$0x1E200] =	vst v63  }
0x58: {  	_ =	swait.ge [sflag:s24], $0x2000  }
0x59: {  	[sflag:s24] =	ssyncset.done $0x0  }
0x5a: {  	[sflag:s24] =	ssyncadd.s32 $0xFFFFE000  }
0x5b: {  	[spmem:s11] =	stream.linear.scatter [tilespmem:s22], [sflag:$0x5], $0x2000, $0x38;
	[tilespmem:$0x1E200] =	vst v63  }
0x5c: {  	_ =	swait.ge [sflag:s24], $0x2000  }
0x5d: {  	[sflag:s24] =	ssyncset.done $0x0  }
0x5e: {  	[sflag:s24] =	ssyncadd.s32 $0xFFFFE000  }
0x5f: {  	[spmem:s12] =	stream.linear.scatter [tilespmem:s22], [sflag:$0x5], $0x2000, $0x38;
	[tilespmem:$0x1E200] =	vst v63  }
0x60: {  	_ =	swait.ge [sflag:s24], $0x2000  }
0x61: {  	[sflag:s24] =	ssyncset.done $0x0  }
0x62: {  	[sflag:s24] =	ssyncadd.s32 $0xFFFFE000  }
0x63: {  	[spmem:s13] =	stream.linear.scatter [tilespmem:s22], [sflag:$0x5], $0x2000, $0x38;
	[tilespmem:$0x1E200] =	vst v63  }
0x64: {  	_ =	swait.ge [sflag:s24], $0x2000  }
0x65: {  	[sflag:s24] =	ssyncset.done $0x0  }
0x66: {  	[sflag:s24] =	ssyncadd.s32 $0xFFFFE000  }
0x67: {  	[spmem:s14] =	stream.linear.scatter [tilespmem:s22], [sflag:$0x5], $0x2000, $0x38;
	[tilespmem:$0x1E200] =	vst v63  }
0x68: {  	_ =	swait.ge [sflag:s24], $0x2000  }
0x69: {  	[sflag:s24] =	ssyncset.done $0x0  }
0x6a: {  	[sflag:s24] =	ssyncadd.s32 $0xFFFFE000  }
0x6b: {  	[spmem:s15] =	stream.linear.scatter [tilespmem:s22], [sflag:$0x5], $0x2000, $0x38;
	[tilespmem:$0x1E200] =	vst v63  }
0x6c: {  	_ =	swait.ge [sflag:s24], $0x2000  }
0x6d: {  	[sflag:s24] =	ssyncset.done $0x0  }
0x6e: {  	[sflag:s24] =	ssyncadd.s32 $0xFFFFE000  }
0x6f: {  	_ =	swait.ge [sflag:s25], $0x80  }
0x70: {  	[sflag:s25] =	ssyncset.done $0x0  }
0x71: {  	[sflag:s25] =	ssyncadd.s32 $0xFFFFFF80  }
0x72: {  	_ =	swait.ge [sflag:s25], $0x80  }
0x73: {  	[sflag:s25] =	ssyncset.done $0x0  }
0x74: {  	[sflag:s25] =	ssyncadd.s32 $0xFFFFFF80  }
0x75: {  	s2 =	simm.s32 $0x0;
	[bflag:$0x0] =	sbarrier.arrive $0xFFFF  }
0x76: {  	[tilespmem:s26], [sflag:$0x3] =	stream.indirect.gather [hbm4b:s18+s17], $0x80, s2, s17, $0xb8;
	[tilespmem:$0x1E200] =	vst v63  }
0x77: {  	_ =	swait.ge [sflag:s28], $0x4000  }
0x78: {  	[sflag:s28] =	ssyncset.done $0x0  }
0x79: {  	[sflag:s28] =	ssyncadd.s32 $0xFFFFC000  }
0x7a: {  	_ =	swait.ge [sflag:s29], $0x80  }
0x7b: {  	[sflag:s29] =	ssyncset.done $0x0  }
0x7c: {  	[sflag:s29] =	ssyncadd.s32 $0xFFFFFF80  }
0x7d: {  	_ =	swait.ge [sflag:s29], $0x80  }
0x7e: {  	[sflag:s29] =	ssyncset.done $0x0  }
0x7f: {  	[sflag:s29] =	ssyncadd.s32 $0xFFFFFF80  }
0x80: {  	[tilespmem:s30], [sflag:$0x4] =	stream.indirect.gather [hbm4b:s18+s17], $0x80, s17, s17, $0xb8;
	[tilespmem:$0x1E200] =	vst v63  }
0x81: {  	_ = 	snop  }
0x82: {  	[spmem:s21] =	stream.indirect.scatter.add.f32 [tilespmem:s26], [sflag:$0x5], $0x80, s16, s17, $0xb8;
	[tilespmem:$0x1E200] =	vst v63  }
0x83: {  	_ =	swait.ge [sflag:s24], $0x4000  }
0x84: {  	[sflag:s24] =	ssyncset.done $0x0  }
0x85: {  	s3 =	sadd.s32 $0x0, s9;
	[sflag:s24] =	ssyncadd.s32 $0xFFFFC000  }
0x86: {  	[tilespmem:s1], [sflag:$0x1] =	stream.linear.gather [hbm4b:s3+s1], $0x80, $0x38;
	[tilespmem:$0x1E200] =	vst v63  }
0x87: {  	s2 =	sadd.s32 $0x0, s8  }
0x88: {  	[tilespmem:s16], [sflag:$0x1] =	stream.linear.gather [hbm4b:s2+s1], $0x80, $0x38;
	[tilespmem:$0x1E200] =	vst v63  }
0x89: {  	_ =	swait.ge [sflag:s31], $0x4000  }
0x8a: {  	[sflag:s31] =	ssyncset.done $0x0  }
0x8b: {  	[sflag:s31] =	ssyncadd.s32 $0xFFFFC000  }
0x8c: {  	_ =	swait.ge [sflag:s25], $0x80  }
0x8d: {  	[sflag:s25] =	ssyncset.done $0x0  }
0x8e: {  	[sflag:s25] =	ssyncadd.s32 $0xFFFFFF80  }
0x8f: {  	_ =	swait.ge [sflag:s25], $0x80  }
0x90: {  	[sflag:s25] =	ssyncset.done $0x0  }
0x91: {  	[sflag:s25] =	ssyncadd.s32 $0xFFFFFF80  }
0x92: {  	[tilespmem:s26], [sflag:$0x3] =	stream.indirect.gather [hbm4b:s18+s17], $0x80, s1, s17, $0xb8;
	[tilespmem:$0x1E200] =	vst v63  }
0x93: {  	_ = 	snop  }
0x94: {  	[spmem:s21] =	stream.indirect.scatter.add.f32 [tilespmem:s30], [sflag:$0x5], $0x80, s20, s17, $0xb8;
	[tilespmem:$0x1E200] =	vst v63  }
0x95: {  	_ =	swait.ge [sflag:s24], $0x4000  }
0x96: {  	s0 =	simm.s32 $0x20;
	[sflag:s24] =	ssyncset.done $0x0  }
0x97: {  	s3 =	sadd.s32 $0x0, s7;
	s2 =	sadd.s32 $0x0, s6;
	[sflag:s24] =	ssyncadd.s32 $0xFFFFC000  }
0x98: {  	[tilespmem:s17], [sflag:$0x2] =	stream.linear.gather [hbm4b:s3+s1], $0x80, $0x38;
	[tilespmem:$0x1E200] =	vst v63  }
.LBB2_4:
0x99: {  	[tilespmem:s20], [sflag:$0x2] =	stream.linear.gather [hbm4b:s2+s1], $0x80, $0x38;
	[tilespmem:$0x1E200] =	vst v63  }
0x9a: {  	s2 =	smov.u32 s0  }
0x9b: {  	p0 =	sne.s32 s0, $0x4C0;
	s0 =	sadd.s32 $0x20, s0;
	_ =	swait.ge [sflag:s28], $0x4000  }
0x9c: {  	[sflag:s28] =	ssyncset.done $0x0  }
0x9d: {  	[sflag:s28] =	ssyncadd.s32 $0xFFFFC000  }
0x9e: {  	_ =	swait.ge [sflag:s29], $0x80  }
0x9f: {  	[sflag:s29] =	ssyncset.done $0x0  }
0xa0: {  	[sflag:s29] =	ssyncadd.s32 $0xFFFFFF80  }
0xa1: {  	_ =	swait.ge [sflag:s29], $0x80  }
0xa2: {  	[sflag:s29] =	ssyncset.done $0x0  }
0xa3: {  	[sflag:s29] =	ssyncadd.s32 $0xFFFFFF80  }
0xa4: {  	[tilespmem:s30], [sflag:$0x4] =	stream.indirect.gather [hbm4b:s18+s17], $0x80, s17, s17, $0xb8;
	[tilespmem:$0x1E200] =	vst v63  }
0xa5: {  	_ = 	snop  }
0xa6: {  	[spmem:s21] =	stream.indirect.scatter.add.f32 [tilespmem:s26], [sflag:$0x5], $0x80, s16, s17, $0xb8;
	[tilespmem:$0x1E200] =	vst v63  }
0xa7: {  	_ =	swait.ge [sflag:s24], $0x4000  }
0xa8: {  	[sflag:s24] =	ssyncset.done $0x0  }
0xa9: {  	s3 =	sadd.s32 s2, s9;
	[sflag:s24] =	ssyncadd.s32 $0xFFFFC000  }
0xaa: {  	[tilespmem:s1], [sflag:$0x1] =	stream.linear.gather [hbm4b:s3+s1], $0x80, $0x38;
	[tilespmem:$0x1E200] =	vst v63  }
0xab: {  	s3 =	sadd.s32 s2, s8  }
0xac: {  	[tilespmem:s16], [sflag:$0x1] =	stream.linear.gather [hbm4b:s3+s1], $0x80, $0x38;
	[tilespmem:$0x1E200] =	vst v63  }
0xad: {  	_ =	swait.ge [sflag:s31], $0x4000  }
0xae: {  	[sflag:s31] =	ssyncset.done $0x0  }
0xaf: {  	[sflag:s31] =	ssyncadd.s32 $0xFFFFC000  }
0xb0: {  	_ =	swait.ge [sflag:s25], $0x80  }
0xb1: {  	[sflag:s25] =	ssyncset.done $0x0  }
0xb2: {  	[sflag:s25] =	ssyncadd.s32 $0xFFFFFF80  }
0xb3: {  	_ =	swait.ge [sflag:s25], $0x80  }
0xb4: {  	[sflag:s25] =	ssyncset.done $0x0  }
0xb5: {  	[sflag:s25] =	ssyncadd.s32 $0xFFFFFF80  }
0xb6: {  	[tilespmem:s26], [sflag:$0x3] =	stream.indirect.gather [hbm4b:s18+s17], $0x80, s1, s17, $0xb8;
	[tilespmem:$0x1E200] =	vst v63  }
0xb7: {  	_ = 	snop  }
0xb8: {  	[spmem:s21] =	stream.indirect.scatter.add.f32 [tilespmem:s30], [sflag:$0x5], $0x80, s20, s17, $0xb8;
	[tilespmem:$0x1E200] =	vst v63  }
.Ltmp1:
0xb9: {  	_ =	swait.ge [sflag:s24], $0x4000;
	(pc) =	sbr.rel @p0 .LBB2_4-.Ltmp1, $4  }
0xba: {  	[sflag:s24] =	ssyncset.done $0x0  }
0xbb: {  	s3 =	sadd.s32 s2, s7;
	[sflag:s24] =	ssyncadd.s32 $0xFFFFC000  }
0xbc: {  	[tilespmem:s17], [sflag:$0x2] =	stream.linear.gather [hbm4b:s3+s1], $0x80, $0x38;
	[tilespmem:$0x1E200] =	vst v63  }
0xbd: {  	s2 =	sadd.s32 s2, s6  }
0xbe: {  	[tilespmem:s20], [sflag:$0x2] =	stream.linear.gather [hbm4b:s2+s1], $0x80, $0x38;
	[tilespmem:$0x1E200] =	vst v63  }
0xbf: {  	_ =	swait.ge [sflag:s28], $0x4000  }
0xc0: {  	[sflag:s28] =	ssyncset.done $0x0  }
0xc1: {  	[sflag:s28] =	ssyncadd.s32 $0xFFFFC000  }
0xc2: {  	_ =	swait.ge [sflag:s29], $0x80  }
0xc3: {  	[sflag:s29] =	ssyncset.done $0x0  }
0xc4: {  	[sflag:s29] =	ssyncadd.s32 $0xFFFFFF80  }
0xc5: {  	_ =	swait.ge [sflag:s29], $0x80  }
0xc6: {  	[sflag:s29] =	ssyncset.done $0x0  }
0xc7: {  	[sflag:s29] =	ssyncadd.s32 $0xFFFFFF80  }
0xc8: {  	[tilespmem:s30], [sflag:$0x4] =	stream.indirect.gather [hbm4b:s18+s17], $0x80, s17, s17, $0xb8;
	[tilespmem:$0x1E200] =	vst v63  }
0xc9: {  	_ = 	snop  }
0xca: {  	[spmem:s21] =	stream.indirect.scatter.add.f32 [tilespmem:s26], [sflag:$0x5], $0x80, s16, s17, $0xb8;
	[tilespmem:$0x1E200] =	vst v63  }
0xcb: {  	_ =	swait.ge [sflag:s24], $0x4000  }
0xcc: {  	[sflag:s24] =	ssyncset.done $0x0  }
0xcd: {  	[sflag:s24] =	ssyncadd.s32 $0xFFFFC000  }
0xce: {  	_ =	swait.ge [sflag:s31], $0x4000  }
0xcf: {  	[sflag:s31] =	ssyncset.done $0x0  }
0xd0: {  	[sflag:s31] =	ssyncadd.s32 $0xFFFFC000  }
0xd1: {  	[spmem:s21] =	stream.indirect.scatter.add.f32 [tilespmem:s30], [sflag:$0x5], $0x80, s20, s17, $0xb8;
	[tilespmem:$0x1E200] =	vst v63  }
0xd2: {  	_ =	swait.ge [sflag:s24], $0x4000  }
0xd3: {  	[sflag:s24] =	ssyncset.done $0x0  }
0xd4: {  	[sflag:s24] =	ssyncadd.s32 $0xFFFFC000  }
0xd5: {  	[bflag:$0x0] =	sbarrier.arrive $0xFFFF  }
0xd6: {  	[tilespmem:s22], [sflag:$0x5] =	stream.linear.gather [spmem:s23], $0x2000, $0x38;
	[tilespmem:$0x1E200] =	vst v63  }
0xd7: {  	_ =	swait.ge [sflag:s24], $0x2000  }
0xd8: {  	[sflag:s24] =	ssyncset.done $0x0  }
0xd9: {  	s0 =	rddreg [dreg:$0xa];
	[sflag:s24] =	ssyncadd.s32 $0xFFFFE000  }
0xda: {  	[hbm4b:s0+s1] =	stream.linear.scatter [tilespmem:s22], [sflag:$0x5], $0x2000, $0x38;
	[tilespmem:$0x1E200] =	vst v63  }
0xdb: {  	_ =	swait.ge [sflag:s24], $0x2000  }
0xdc: {  	[sflag:s24] =	ssyncset.done $0x0  }
0xdd: {  	s3 =	rddreg [dreg:$0x15];
	[sflag:s24] =	ssyncadd.s32 $0xFFFFE000  }
0xde: {  	[tilespmem:s22], [sflag:$0x5] =	stream.linear.gather [spmem:s3], $0x2000, $0x38;
	[tilespmem:$0x1E200] =	vst v63  }
0xdf: {  	_ =	swait.ge [sflag:s24], $0x2000  }
0xe0: {  	[sflag:s24] =	ssyncset.done $0x0  }
0xe1: {  	s2 =	rddreg [dreg:$0xb];
	[sflag:s24] =	ssyncadd.s32 $0xFFFFE000  }
0xe2: {  	[hbm4b:s2+s1] =	stream.linear.scatter [tilespmem:s22], [sflag:$0x5], $0x2000, $0x38;
	[tilespmem:$0x1E200] =	vst v63  }
0xe3: {  	_ =	swait.ge [sflag:s24], $0x2000  }
0xe4: {  	[sflag:s24] =	ssyncset.done $0x0  }
0xe5: {  	s3 =	rddreg [dreg:$0x16];
	[sflag:s24] =	ssyncadd.s32 $0xFFFFE000  }
0xe6: {  	[tilespmem:s22], [sflag:$0x5] =	stream.linear.gather [spmem:s3], $0x2000, $0x38;
	[tilespmem:$0x1E200] =	vst v63  }
0xe7: {  	_ =	swait.ge [sflag:s24], $0x2000  }
0xe8: {  	[sflag:s24] =	ssyncset.done $0x0  }
0xe9: {  	s2 =	rddreg [dreg:$0xc];
	[sflag:s24] =	ssyncadd.s32 $0xFFFFE000  }
0xea: {  	[hbm4b:s2+s1] =	stream.linear.scatter [tilespmem:s22], [sflag:$0x5], $0x2000, $0x38;
	[tilespmem:$0x1E200] =	vst v63  }
0xeb: {  	_ =	swait.ge [sflag:s24], $0x2000  }
0xec: {  	[sflag:s24] =	ssyncset.done $0x0  }
0xed: {  	s3 =	rddreg [dreg:$0x17];
	[sflag:s24] =	ssyncadd.s32 $0xFFFFE000  }
0xee: {  	[tilespmem:s22], [sflag:$0x5] =	stream.linear.gather [spmem:s3], $0x2000, $0x38;
	[tilespmem:$0x1E200] =	vst v63  }
0xef: {  	_ =	swait.ge [sflag:s24], $0x2000  }
0xf0: {  	[sflag:s24] =	ssyncset.done $0x0  }
0xf1: {  	s2 =	rddreg [dreg:$0xd];
	[sflag:s24] =	ssyncadd.s32 $0xFFFFE000  }
0xf2: {  	[hbm4b:s2+s1] =	stream.linear.scatter [tilespmem:s22], [sflag:$0x5], $0x2000, $0x38;
	[tilespmem:$0x1E200] =	vst v63  }
0xf3: {  	_ =	swait.ge [sflag:s24], $0x2000  }
0xf4: {  	[sflag:s24] =	ssyncset.done $0x0  }
0xf5: {  	s3 =	rddreg [dreg:$0x18];
	[sflag:s24] =	ssyncadd.s32 $0xFFFFE000  }
0xf6: {  	[tilespmem:s22], [sflag:$0x5] =	stream.linear.gather [spmem:s3], $0x2000, $0x38;
	[tilespmem:$0x1E200] =	vst v63  }
0xf7: {  	_ =	swait.ge [sflag:s24], $0x2000  }
0xf8: {  	[sflag:s24] =	ssyncset.done $0x0  }
0xf9: {  	s2 =	rddreg [dreg:$0xe];
	[sflag:s24] =	ssyncadd.s32 $0xFFFFE000  }
0xfa: {  	[hbm4b:s2+s1] =	stream.linear.scatter [tilespmem:s22], [sflag:$0x5], $0x2000, $0x38;
	[tilespmem:$0x1E200] =	vst v63  }
0xfb: {  	_ =	swait.ge [sflag:s24], $0x2000  }
0xfc: {  	[sflag:s24] =	ssyncset.done $0x0  }
0xfd: {  	s3 =	rddreg [dreg:$0x19];
	[sflag:s24] =	ssyncadd.s32 $0xFFFFE000  }
0xfe: {  	[tilespmem:s22], [sflag:$0x5] =	stream.linear.gather [spmem:s3], $0x2000, $0x38;
	[tilespmem:$0x1E200] =	vst v63  }
0xff: {  	_ =	swait.ge [sflag:s24], $0x2000  }
0x100: {  	[sflag:s24] =	ssyncset.done $0x0  }
0x101: {  	s2 =	rddreg [dreg:$0xf];
	[sflag:s24] =	ssyncadd.s32 $0xFFFFE000  }
0x102: {  	[hbm4b:s2+s1] =	stream.linear.scatter [tilespmem:s22], [sflag:$0x5], $0x2000, $0x38;
	[tilespmem:$0x1E200] =	vst v63  }
0x103: {  	_ =	swait.ge [sflag:s24], $0x2000  }
0x104: {  	[sflag:s24] =	ssyncset.done $0x0  }
0x105: {  	s3 =	rddreg [dreg:$0x1a];
	[sflag:s24] =	ssyncadd.s32 $0xFFFFE000  }
0x106: {  	[tilespmem:s22], [sflag:$0x5] =	stream.linear.gather [spmem:s3], $0x2000, $0x38;
	[tilespmem:$0x1E200] =	vst v63  }
0x107: {  	_ =	swait.ge [sflag:s24], $0x2000  }
0x108: {  	[sflag:s24] =	ssyncset.done $0x0  }
0x109: {  	s2 =	rddreg [dreg:$0x10];
	[sflag:s24] =	ssyncadd.s32 $0xFFFFE000  }
0x10a: {  	[hbm4b:s2+s1] =	stream.linear.scatter [tilespmem:s22], [sflag:$0x5], $0x2000, $0x38;
	[tilespmem:$0x1E200] =	vst v63  }
0x10b: {  	_ =	swait.ge [sflag:s24], $0x2000  }
0x10c: {  	[sflag:s24] =	ssyncset.done $0x0  }
0x10d: {  	s3 =	rddreg [dreg:$0x1b];
	[sflag:s24] =	ssyncadd.s32 $0xFFFFE000  }
0x10e: {  	[tilespmem:s22], [sflag:$0x5] =	stream.linear.gather [spmem:s3], $0x2000, $0x38;
	[tilespmem:$0x1E200] =	vst v63  }
0x10f: {  	_ =	swait.ge [sflag:s24], $0x2000  }
0x110: {  	[sflag:s24] =	ssyncset.done $0x0  }
0x111: {  	s2 =	rddreg [dreg:$0x11];
	[sflag:s24] =	ssyncadd.s32 $0xFFFFE000  }
0x112: {  	[hbm4b:s2+s1] =	stream.linear.scatter [tilespmem:s22], [sflag:$0x5], $0x2000, $0x38;
	[tilespmem:$0x1E200] =	vst v63  }
0x113: {  	_ =	swait.ge [sflag:s24], $0x2000  }
0x114: {  	[sflag:s24] =	ssyncset.done $0x0  }
0x115: {  	s3 =	rddreg [dreg:$0x1c];
	[sflag:s24] =	ssyncadd.s32 $0xFFFFE000  }
0x116: {  	[tilespmem:s22], [sflag:$0x5] =	stream.linear.gather [spmem:s3], $0x2000, $0x38;
	[tilespmem:$0x1E200] =	vst v63  }
0x117: {  	_ =	swait.ge [sflag:s24], $0x2000  }
0x118: {  	[sflag:s24] =	ssyncset.done $0x0  }
0x119: {  	s2 =	rddreg [dreg:$0x12];
	[sflag:s24] =	ssyncadd.s32 $0xFFFFE000  }
0x11a: {  	[hbm4b:s2+s1] =	stream.linear.scatter [tilespmem:s22], [sflag:$0x5], $0x2000, $0x38;
	[tilespmem:$0x1E200] =	vst v63  }
0x11b: {  	_ =	swait.ge [sflag:s24], $0x2000  }
0x11c: {  	[sflag:s24] =	ssyncset.done $0x0  }
0x11d: {  	s3 =	rddreg [dreg:$0x1d];
	[sflag:s24] =	ssyncadd.s32 $0xFFFFE000  }
0x11e: {  	[tilespmem:s22], [sflag:$0x5] =	stream.linear.gather [spmem:s3], $0x2000, $0x38;
	[tilespmem:$0x1E200] =	vst v63  }
0x11f: {  	_ =	swait.ge [sflag:s24], $0x2000  }
0x120: {  	[sflag:s24] =	ssyncset.done $0x0  }
0x121: {  	s2 =	rddreg [dreg:$0x13];
	[sflag:s24] =	ssyncadd.s32 $0xFFFFE000  }
0x122: {  	[hbm4b:s2+s1] =	stream.linear.scatter [tilespmem:s22], [sflag:$0x5], $0x2000, $0x38;
	[tilespmem:$0x1E200] =	vst v63  }
0x123: {  	_ =	swait.ge [sflag:s24], $0x2000  }
0x124: {  	s19 =	sadd.s32 $0x1, s19;
	s3 =	rddreg [dreg:$0x14]  }
0x125: {  	p0 =	sne.s32 s19, s3  }
.Ltmp2:
0x126: {  	_ = 	snop;
	(pc) =	sbr.rel @p0 .LBB2_1-.Ltmp2, $3  }
0x127: {  	_ =	sdelay $0x1  }
0x128: {  	[sflag:s24] =	ssyncset.done $0x0  }
0x129: {  	[sflag:s24] =	ssyncadd.s32 $0xFFFFE000  }
0x12a: {  	_ =	sfence.sel $0x180000  }
0x12b: {  	[bflag:$0x0] =	sbarrier.arrive $0xFFFF  }
0x12c: {  	_ =	strace $0x9000004A  }
0x12d: {  	s0 =	stileid.u32;
	[bflag:$0x2] =	sbarrier.arrive $0xFFFF  }
0x12e: {  	p0 =	sne.s32 s0, $0x0;
	s0 =	rddreg [dreg:$0x5]  }
0x12f: {  	s0 =	sadd.s32 @!p0 $0x100000, s0  }
0x130: {  	[sflag:s0] =	ssyncadd.tile.s32 @!p0 $0x1;
	_ =	shalt  }
.Lfunc_end2:
_tile_overlayer_lowered:
.L_overlay_start_2:
0x131: {  	(tag) =	ssettag $0x2  }
0x132: {  	s0 =	rddreg [dreg:$0x0];
	s2 =	stileid.u32  }
0x133: {  	s1 =	rddreg [dreg:$0x1];
	p0 =	sne.s32 s2, $0x0  }
0x134: {  	s3 =	rddreg [dreg:$0x2];
	[bflag:$0x3] =	sbarrier.arrive $0xFFFF;
	s2 =	simm.s32 @!p0 $0x1C05  }
0x135: {  	[timem:s3], [sflag:s2] =	dma.local @!p0 [hbm:s0], s1  }
0x136: {  	s0 =	simm.s32 @!p0 $0x5  }
0x137: {  	_ =	swait.ge @!p0 [sflag:s0], s1  }
0x138: {  	s1 =	ssub.s32 @!p0 $0x0, s1;
	[sflag:s0] =	ssyncset.done @!p0 $0x0  }
0x139: {  	[sflag:s0] =	ssyncadd.s32 @!p0 s1  }
0x13a: {  	[bflag:$0x3] =	sbarrier.arrive $0xFFFF  }
0x13b: {  	_ =	shalt  }

// kernel: _run.8.cloned.1.call-start
scs
__scs_entry_jumppad:
0x0: {  	(pc) =	sbr.rel $0x88, $3  }
0x1: {  	(tag) =	ssettag $0x0;
	lr =	simm.s32 $0x1  }
0x2: {  	[smem:$0x3F8E] =	sst lr;
	_ =	strace $0xD0000000  }
0x3: {  	_ = 	snop  }
0x4: {  	_ = 	snop  }
0x5: {  	_ = 	snop  }
0x6: {  	_ = 	snop  }
0x7: {  	_ = 	snop  }
__scs_overlays_trampoline_lowered:
0x8: {  	[smem:$0x3F9D] =	sst s0  }
0x9: {  	[smem:$0x3F9E] =	sst s1  }
0xa: {  	[smem:$0x3F9F] =	sst s2  }
0xb: {  	[smem:$0x3FA0] =	sst s3  }
0xc: {  	[smem:$0x3FA1] =	sst s4  }
0xd: {  	[smem:$0x3FA2] =	sst s5  }
0xe: {  	[smem:$0x3FA3] =	sst s6  }
0xf: {  	[smem:$0x3FA4] =	sst s7  }
0x10: {  	[smem:$0x3FA5] =	sst s8  }
0x11: {  	[smem:$0x3FA6] =	sst s9;
	s0 =	simm.s32 @!p0 $0x0  }
0x12: {  	s1 =	sld [smem:$0x3F8C];
	s0 =	simm.s32 @p0 $0x1  }
0x13: {  	[smem:$0x3FA7] =	sst s0;
	s0 =	simm.s32 @!p1 $0x0  }
0x14: {  	s2 =	sld [smem:$0x3F8B];
	s0 =	simm.s32 @p1 $0x1  }
0x15: {  	[smem:$0x3FA8] =	sst s0;
	s0 =	simm.s32 @!p2 $0x0  }
0x16: {  	s3 =	sld [smem:$0x3FDB];
	s0 =	simm.s32 @p2 $0x1  }
0x17: {  	s4 =	simm.s32 $0x1BF5;
	[smem:$0x3FAA] =	sst s0  }
0x18: {  	s0 =	sld [smem:$0x3F8D];
	_ =	swait.ge [sflag:s4], $0x0  }
0x19: {  	s7 =	sld [smem:$0x3F8E]  }
0x1a: {  	s8 =	sadd.s32 $0xFFFFE003, lr  }
0x1b: {  	s9 =	sadd.s32 $0xFFFFFEF7, lr;
	s5 =	simm.s32 $0xFFFFFFFF;
	p2 =	slt.u32 s8, $0xFFFFF086  }
0x1c: {  	p1 =	slt.u32 s9, $0xF7A;
	s5 =	simm.s32 @!p2 $0x0  }
0x1d: {  	s5 =	simm.s32 @p1 $0x1;
	p0 =	seq.s32 s7, s2  }
0x1e: {  	s7 =	smul.u32 @!p0 $0xF7A, s2;
	p2 =	seq.s32 @!p0 s5, $0x0  }
0x1f: {  	s9 =	smul.u32 $0xF7A, s1;
	s8 =	simm.s32 @!p0 $0x1BF5;
	p2 =	por !p2, p0  }
0x20: {  	[sflag:s8] =	ssyncset.s32 @!p0 $0xFFFFF086;
	s6 =	sadd.s32 @!p0 s3, s7;
	s7 =	simm.s32 @!p0 $0x108  }
0x21: {  	s3 =	sadd.s32 s3, s9;
	s6 =	sadd.s32 @!p0 $0x88, s6;
	s7 =	simm.s32 @p2 $0x1082  }
0x22: {  	[simem:s7], [sflag:s8] =	dma.local @!p0 [hbm:s6], $0xF7A  }
0x23: {  	s9 =	sor.u32 $0xD0000000, s2;
	s6 =	simm.s32 $0x108;
	_ =	swait.ge @!p0 [sflag:s8], $0x0  }
0x24: {  	s3 =	sadd.s32 $0x88, s3;
	s6 =	simm.s32 @!p1 $0x1082;
	[sflag:s4] =	ssyncset.s32 $0xFFFFF086  }
0x25: {  	[simem:s6], [sflag:s4] =	dma.local [hbm:s3], $0xF7A  }
0x26: {  	[smem:$0x3F8E] =	sst s1;
	(tag) =	ssettag s2;
	_ =	strace s9  }
0x27: {  	s1 =	sld [smem:$0x3F9E]  }
0x28: {  	s2 =	sld [smem:$0x3F9F]  }
0x29: {  	s4 =	sld [smem:$0x3FA1]  }
0x2a: {  	p0 =	seq.s32 s5, $0x0;
	s5 =	sld [smem:$0x3FA2]  }
0x2b: {  	s6 =	sld [smem:$0x3FA3]  }
0x2c: {  	s7 =	sld [smem:$0x3FA4]  }
0x2d: {  	s3 =	simm.s32 $0x108;
	s8 =	sld [smem:$0x3FA5]  }
0x2e: {  	s3 =	simm.s32 @!p0 $0x1082;
	s9 =	sld [smem:$0x3FA6]  }
0x2f: {  	lr =	sadd.s32 s0, s3;
	s0 =	sld [smem:$0x3F9D]  }
0x30: {  	s3 =	sld [smem:$0x3FA0]  }
0x31: {  	[smem:$0x3FA9] =	sst s10  }
0x32: {  	s10 =	sld [smem:$0x3FA7];
	_ =	sdelay $0x3  }
0x33: {  	p0 =	seq.s32 s10, $0x1;
	s10 =	sld [smem:$0x3FA9];
	_ =	sdelay $0x3  }
0x34: {  	[smem:$0x3FA9] =	sst s10  }
0x35: {  	s10 =	sld [smem:$0x3FA8];
	_ =	sdelay $0x3  }
0x36: {  	p1 =	seq.s32 s10, $0x1;
	s10 =	sld [smem:$0x3FA9];
	_ =	sdelay $0x3  }
0x37: {  	[smem:$0x3FA9] =	sst s10  }
0x38: {  	s10 =	sld [smem:$0x3FAA]  }
0x39: {  	_ = 	snop;
	(pc) =	sbr.ind lr, $3  }
0x3a: {  	_ = 	snop  }
0x3b: {  	_ = 	snop  }
0x3c: {  	p2 =	seq.s32 s10, $0x1;
	s10 =	sld [smem:$0x3FA9]  }
0x3d: {  	_ =	shalt  }
0x3e: {  	_ =	shalt  }
0x3f: {  	_ =	shalt  }
0x40: {  	_ =	shalt  }
0x41: {  	_ =	shalt  }
0x42: {  	_ =	shalt  }
0x43: {  	_ =	shalt  }
0x44: {  	_ =	shalt  }
0x45: {  	_ =	shalt  }
0x46: {  	_ =	shalt  }
0x47: {  	_ =	shalt  }
0x48: {  	_ =	shalt  }
0x49: {  	_ =	shalt  }
0x4a: {  	_ =	shalt  }
0x4b: {  	_ =	shalt  }
0x4c: {  	_ =	shalt  }
0x4d: {  	_ =	shalt  }
0x4e: {  	_ =	shalt  }
0x4f: {  	_ =	shalt  }
0x50: {  	_ =	shalt  }
0x51: {  	_ =	shalt  }
0x52: {  	_ =	shalt  }
0x53: {  	_ =	shalt  }
0x54: {  	_ =	shalt  }
0x55: {  	_ =	shalt  }
0x56: {  	_ =	shalt  }
0x57: {  	_ =	shalt  }
0x58: {  	_ =	shalt  }
0x59: {  	_ =	shalt  }
0x5a: {  	_ =	shalt  }
0x5b: {  	_ =	shalt  }
0x5c: {  	_ =	shalt  }
0x5d: {  	_ =	shalt  }
0x5e: {  	_ =	shalt  }
0x5f: {  	_ =	shalt  }
0x60: {  	_ =	shalt  }
0x61: {  	_ =	shalt  }
0x62: {  	_ =	shalt  }
0x63: {  	_ =	shalt  }
0x64: {  	_ =	shalt  }
0x65: {  	_ =	shalt  }
0x66: {  	_ =	shalt  }
0x67: {  	_ =	shalt  }
0x68: {  	_ =	shalt  }
0x69: {  	_ =	shalt  }
0x6a: {  	_ =	shalt  }
0x6b: {  	_ =	shalt  }
0x6c: {  	_ =	shalt  }
0x6d: {  	_ =	shalt  }
0x6e: {  	_ =	shalt  }
0x6f: {  	_ =	shalt  }
0x70: {  	_ =	shalt  }
0x71: {  	_ =	shalt  }
0x72: {  	_ =	shalt  }
0x73: {  	_ =	shalt  }
0x74: {  	_ =	shalt  }
0x75: {  	_ =	shalt  }
0x76: {  	_ =	shalt  }
0x77: {  	_ =	shalt  }
0x78: {  	_ =	shalt  }
0x79: {  	_ =	shalt  }
0x7a: {  	_ =	shalt  }
0x7b: {  	_ =	shalt  }
0x7c: {  	_ =	shalt  }
0x7d: {  	_ =	shalt  }
0x7e: {  	_ =	shalt  }
0x7f: {  	_ =	shalt  }
0x80: {  	_ =	shalt  }
0x81: {  	_ =	shalt  }
0x82: {  	_ =	shalt  }
0x83: {  	_ =	shalt  }
0x84: {  	_ =	shalt  }
0x85: {  	_ =	shalt  }
0x86: {  	_ =	shalt  }
0x87: {  	_ =	shalt  }
.Lfunc_end0:
.L_simem_size_0:
called_computation_lowered:
.L_overlay_start_0:
0x88: {  	s2 =	sld [smem:$0x3FD9]  }
0x89: {  	s3 =	sld [smem:$0x3FFE];
	_ =	sdelay $0x1  }
0x8a: {  	s1 =	srdreg.scid  }
0x8b: {  	s0 =	sand.u32 $0x1, s1  }
0x8c: {  	s17 =	sshll.u32 s0, $0xA;
	s2 =	sadd.s32 s3, s2  }
0x8d: {  	s2 =	sadd.s32 s2, s17  }
0x8e: {  	[smem:$0x3FB5] =	sst s2  }
0x8f: {  	_ = 	snop  }
0x90: {  	s2 =	sld [smem:$0x3FC8]  }
0x91: {  	s18 =	sld [smem:$0x3FC7]  }
0x92: {  	s4 =	sld [smem:$0x3FD0];
	(tm) =	ssettm $0x1  }
0x93: {  	s5 =	sld [smem:$0x3FFB];
	_ =	sdelay $0x3  }
0x94: {  	_ =	strace s5  }
0x95: {  	s5 =	sld [smem:$0x3FFC];
	_ =	sdelay $0x3  }
0x96: {  	_ =	strace s5  }
0x97: {  	s5 =	sld [smem:$0x3FFD];
	_ =	sdelay $0x3  }
0x98: {  	_ =	strace s5  }
0x99: {  	_ =	strace $0x8FFFFFFF  }
0x9a: {  	s19 =	sld [smem:$0x3FDB];
	_ =	sdelay $0x1  }
0x9b: {  	s6 =	simm.s32 $_scs_section_size  }
0x9c: {  	s7 =	simm.s32 $_size__tile_overlayer_lowered;
	s8 =	simm.s32 $_tile_overlayer_lowered  }
0x9d: {  	s22 =	simm.s32 $0x1BFF;
	s21 =	sshll.u32 s8, $0x1;
	s5 =	sadd.s32 s6, s19  }
0x9e: {  	s9 =	simm.s32 $0x0;
	s20 =	sshll.u32 s7, $0x1;
	s7 =	sadd.s32 s21, s5  }
0x9f: {  	[timem:s9], [sflag:s22] =	dma.local [hbm:s7], s20  }
0xa0: {  	_ =	swait.ge [sflag:s22], s20  }
0xa1: {  	s6 =	ssub.s32 $0x0, s20;
	[sflag:s22] =	ssyncset.done $0x0  }
0xa2: {  	[sflag:s22] =	ssyncadd.s32 s6;
	_ =	sdelay $0x1  }
0xa3: {  	s23 =	simm.s32 $0x1B8B  }
0xa4: {  	_ =	swait.ge [sflag:s23], $0x1  }
0xa5: {  	[sflag:s23] =	ssyncset.done $0x0  }
0xa6: {  	s25 =	simm.s32 $0x1B8E;
	s24 =	sld [smem:$0x3FFE];
	[sflag:s23] =	ssyncadd.s32 $0xFFFFFFFF  }
0xa7: {  	s26 =	simm.s32 $execute0_lowered;
	[smem:$0x3FD2] =	sst s25  }
0xa8: {  	s7 =	sshll.u32 s26, $0x1;
	_ =	strace $0x80000046;
	[dreg:$0x1] =	wrdreg $0xFFFFFFFF  }
0xa9: {  	s28 =	simm.s32 $_size_execute0_lowered;
	s5 =	sadd.s32 s5, s7;
	[dreg:$0x0] =	wrdreg $0x0  }
0xaa: {  	s7 =	sshll.u32 s28, $0x1;
	[dreg:$0x2] =	wrdreg s5  }
0xab: {  	[dreg:$0x3] =	wrdreg s7  }
0xac: {  	[dreg:$0x4] =	wrdreg $0xC0  }
0xad: {  	_ =	task [dreg:s9], $0x5FFFF  }
0xae: {  	[dreg:$0x1] =	wrdreg $0xFFFFFFFF  }
0xaf: {  	[dreg:$0x0] =	wrdreg $0x60  }
0xb0: {  	[dreg:$0x2] =	wrdreg s4  }
0xb1: {  	[dreg:$0x3] =	wrdreg s2  }
0xb2: {  	[dreg:$0x4] =	wrdreg s18  }
0xb3: {  	[dreg:$0x5] =	wrdreg s24  }
0xb4: {  	[dreg:$0x6] =	wrdreg $0xA2000  }
0xb5: {  	[dreg:$0x7] =	wrdreg $0x9  }
0xb6: {  	_ =	task.clear_ibuf [dreg:s9], $0x8FFFF;
	_ =	strace $0x90000046  }
0xb7: {  	s29 =	simm.s32 $0x9;
	_ =	strace $0x80000048  }
0xb8: {  	_ =	swait.ge [sflag:s29], $0x1  }
0xb9: {  	[sflag:s29] =	ssyncadd.s32 $0xFFFFFFFF  }
0xba: {  	_ =	strace $0x90000048  }
0xbb: {  	_ =	sfence  }
0xbc: {  	s30 =	sld [smem:$0x0];
	_ =	sdelay $0x2  }
0xbd: {  	s31 =	sshll.u32 s1, $0xD;
	s1 =	sshrl.u32 s1, $0x2  }
0xbe: {  	s3 =	sand.u32 $0x4000, s31;
	s1 =	sadd.s32 s1, s30  }
0xbf: {  	s0 =	sor.u32 s3, s0;
	s1 =	sshll.u32 s1, $0x11  }
0xc0: {  	s0 =	sor.u32 s1, s0  }
0xc1: {  	s0 =	sadd.s32 $0x8F2B, s0  }
0xc2: {  	[sflag:s0] =	ssyncadd.remote.s32 $0x1  }
0xc3: {  	_ =	sfence.sel $0xFFFF  }
0xc4: {  	[dreg:$0x0] =	wrdreg $0xFFFFFFFF;
	(pc) =	sbr.abs _section_cstart, $3  }
0xc5: {  	[dreg:$0x1] =	wrdreg $0xFFFFFFFF  }
0xc6: {  	_ =	task.clear_ibuf [dreg:s9], $0x2FFFF;
	_ =	strace $0x9FFFFFFF  }
0xc7: {  	(tm) =	ssettm $0x7FFFFFFF  }
tec
execute0_lowered:
.L_overlay_start_1:
0x0: {  	(tag) =	ssettag $0x1  }
0x1: {  	s0 =	srdreg.scid;
	s2 =	rddreg [dreg:$0x1]  }
0x2: {  	s21 =	stileid.u32;
	s3 =	rddreg [dreg:$0x2]  }
0x3: {  	s4 =	rddreg [dreg:$0x3];
	s11 =	smul.u32 $0x280, s21  }
0x4: {  	s28 =	simm.s32 $0x3;
	s0 =	sand.u32 $0x1, s0;
	s26 =	smul.u32 $0x2800, s21  }
0x5: {  	s29 =	simm.s32 $0x2;
	s1 =	sshll.u32 s21, $0x1;
	s6 =	smul.u32 $0x28000, s0  }
0x6: {  	s1 =	sor.u32 s0, s1;
	s7 =	ssub.s32 $0x2, s0;
	s0 =	smul.u32 $0x2800, s0  }
0x7: {  	s30 =	simm.s32 $0x4200;
	s31 =	simm.s32 $0x4;
	s5 =	smul.u32 $0x2800, s1  }
0x8: {  	s1 =	simm.s32 $0x0;
	s8 =	sshrl.u32 s7, $0x1;
	s12 =	sor.u32 $0x40, s11  }
0x9: {  	s14 =	sadd.s32 $0x80, s11;
	s16 =	sadd.s32 $0xC0, s11;
	s17 =	sadd.s32 $0x100, s11  }
0xa: {  	s20 =	sadd.s32 $0x140, s11;
	s22 =	sadd.s32 $0x180, s11;
	[smem:$0x7FF] =	sst s1  }
0xb: {  	s4 =	sadd.s32 s6, s4;
	s10 =	ssub.s32 s7, s8;
	s8 =	smul.u32 $0x5000, s21  }
0xc: {  	s13 =	sshll.u32 s12, $0x4;
	s15 =	sshll.u32 s14, $0x4;
	s18 =	sshll.u32 s16, $0x4  }
0xd: {  	s19 =	sshll.u32 s17, $0x4;
	s5 =	sshrl.u32 s5, $0x3;
	s4 =	sadd.s32 $0x3A00, s4  }
0xe: {  	s10 =	smax.u32 s10, $0x1;
	s23 =	sadd.s32 s2, s5;
	s24 =	sadd.s32 s3, s5  }
0xf: {  	s5 =	sor.u32 $0x10, s5;
	s0 =	sadd.s32 s0, s8;
	[dreg:$0x6] =	wrdreg s23  }
0x10: {  	[dreg:$0x7] =	wrdreg s24;
	s25 =	sadd.s32 s2, s5;
	s5 =	sadd.s32 s3, s5  }
0x11: {  	s6 =	sor.u32 $0x180, s0;
	s24 =	sadd.s32 $0x1C0, s11;
	s0 =	sor.u32 $0x100, s0  }
0x12: {  	s23 =	sadd.s32 s13, s4;
	s13 =	sshll.u32 s22, $0x4;
	[dreg:$0x8] =	wrdreg s25  }
0x13: {  	[dreg:$0x9] =	wrdreg s5;
	s9 =	sshrl.u32 s6, $0x3;
	s0 =	sshrl.u32 s0, $0x3  }
0x14: {  	[dreg:$0xb] =	wrdreg s23;
	s25 =	sadd.s32 s15, s4;
	s5 =	sadd.s32 s19, s4  }
0x15: {  	s15 =	sshll.u32 s24, $0x4;
	s23 =	smul.u32 $0x50000, s21;
	s21 =	rddreg [dreg:$0x4]  }
0x16: {  	s6 =	sadd.s32 s9, s3;
	s7 =	sadd.s32 s9, s2;
	s8 =	sadd.s32 s0, s3  }
0x17: {  	s9 =	sadd.s32 s0, s2;
	s0 =	sadd.s32 $0x200, s11;
	[dreg:$0xc] =	wrdreg s25  }
0x18: {  	s2 =	sadd.s32 $0x240, s11;
	s11 =	sadd.s32 s26, s4;
	[dreg:$0xe] =	wrdreg s5  }
0x19: {  	s24 =	sshll.u32 s24, $0x7;
	s26 =	sadd.s32 s18, s4;
	[dreg:$0xa] =	wrdreg s11  }
0x1a: {  	s18 =	sadd.s32 s13, s4;
	s19 =	sadd.s32 s15, s4;
	[dreg:$0xd] =	wrdreg s26  }
0x1b: {  	s13 =	sshll.u32 s16, $0x7;
	s16 =	sshll.u32 s17, $0x7;
	[dreg:$0x10] =	wrdreg s18  }
0x1c: {  	s17 =	sshll.u32 s20, $0x7;
	s11 =	sshll.u32 s20, $0x4;
	[dreg:$0x11] =	wrdreg s19  }
0x1d: {  	s18 =	rddreg [dreg:$0x0];
	s25 =	sshll.u32 s0, $0x4;
	s3 =	sadd.s32 s11, s4  }
0x1e: {  	s26 =	sshll.u32 s2, $0x4;
	s5 =	sadd.s32 s25, s4;
	[dreg:$0xf] =	wrdreg s3  }
0x1f: {  	s15 =	sadd.s32 s13, s21;
	s4 =	sadd.s32 s26, s4;
	[dreg:$0x12] =	wrdreg s5  }
0x20: {  	s11 =	sshll.u32 s12, $0x7;
	s12 =	sshll.u32 s14, $0x7;
	[dreg:$0x13] =	wrdreg s4  }
0x21: {  	s14 =	sadd.s32 s12, s21;
	_ =	strace $0x80000047;
	[dreg:$0x14] =	wrdreg s10  }
0x22: {  	s19 =	sshll.u32 s22, $0x7;
	s20 =	sadd.s32 s17, s21;
	[dreg:$0x16] =	wrdreg s14  }
0x23: {  	s0 =	sshll.u32 s0, $0x7;
	s2 =	sshll.u32 s2, $0x7;
	[dreg:$0x17] =	wrdreg s15  }
0x24: {  	s17 =	simm.s32 $0x80;
	s22 =	sadd.s32 s19, s21;
	[dreg:$0x19] =	wrdreg s20  }
0x25: {  	s0 =	sadd.s32 s0, s21;
	s25 =	sadd.s32 s2, s21;
	[dreg:$0x1a] =	wrdreg s22  }
0x26: {  	s19 =	simm.s32 $0x0;
	s3 =	sshrl.u32 s23, $0x2;
	[dreg:$0x1c] =	wrdreg s0  }
0x27: {  	s23 =	sadd.s32 s3, s21;
	s3 =	sadd.s32 s11, s21;
	[dreg:$0x1d] =	wrdreg s25  }
0x28: {  	s20 =	simm.s32 $0x180;
	s22 =	simm.s32 $0x8200;
	s25 =	simm.s32 $0x1  }
0x29: {  	[dreg:$0x15] =	wrdreg s3;
	s3 =	sadd.s32 s16, s21;
	s26 =	sadd.s32 $0x2000, s23  }
0x2a: {  	s4 =	sadd.s32 $0x4000, s23;
	s5 =	sadd.s32 $0x6000, s23;
	s10 =	sadd.s32 $0x8000, s23  }
0x2b: {  	s11 =	sadd.s32 $0xA000, s23;
	s12 =	sadd.s32 $0xC000, s23;
	s13 =	sadd.s32 $0xE000, s23  }
0x2c: {  	s14 =	sadd.s32 $0x10000, s23;
	s15 =	sadd.s32 $0x12000, s23;
	[dreg:$0x18] =	wrdreg s3  }
0x2d: {  	s16 =	simm.s32 $0x100;
	s3 =	sadd.s32 s24, s21;
	[dreg:$0x1e] =	wrdreg s26  }
0x2e: {  	v0 =	vimm.f32 $0.0e+00;
	s24 =	simm.s32 $0x5;
	s26 =	simm.s32 $0x200;
	[dreg:$0x1b] =	wrdreg s3  }
.LBB2_1:
0x2f: {  	s0 =	rddreg [dreg:$0x6]  }
0x30: {  	[tilespmem:s1], [sflag:$0x1] =	stream.linear.gather [hbm4b:s0+s1], $0x80, $0x38;
	[tilespmem:$0x1E200] =	vst v63  }
0x31: {  	s3 =	rddreg [dreg:$0x7]  }
0x32: {  	[tilespmem:s16], [sflag:$0x1] =	stream.linear.gather [hbm4b:s3+s1], $0x80, $0x38;
	[tilespmem:$0x1E200] =	vst v63  }
0x33: {  	s2 =	rddreg [dreg:$0x8]  }
0x34: {  	[tilespmem:s17], [sflag:$0x2] =	stream.linear.gather [hbm4b:s2+s1], $0x80, $0x38;
	[tilespmem:$0x1E200] =	vst v63  }
0x35: {  	s0 =	simm.s32 $0x0;
	s3 =	rddreg [dreg:$0x9];
	s2 =	simm.s32 $0x200  }
0x36: {  	[tilespmem:s20], [sflag:$0x2] =	stream.linear.gather [hbm4b:s3+s1], $0x80, $0x38;
	[tilespmem:$0x1E200] =	vst v63  }
.LBB2_2:
0x37: {  	p0 =	sne.s32 s2, $0x7E00;
	[tilespmem:s0+$0x8270] =	vst v0  }
0x38: {  	[tilespmem:s0+$0x8200] =	vst v0  }
0x39: {  	[tilespmem:s0+$0x8210] =	vst v0  }
.Ltmp0:
0x3a: {  	[tilespmem:s0+$0x8220] =	vst v0;
	(pc) =	sbr.rel @p0 .LBB2_2-.Ltmp0, $4  }
0x3b: {  	[tilespmem:s0+$0x8230] =	vst v0  }
0x3c: {  	[tilespmem:s0+$0x8240] =	vst v0  }
0x3d: {  	[tilespmem:s0+$0x8250] =	vst v0  }
0x3e: {  	[tilespmem:s0+$0x8260] =	vst v0;
	s0 =	sshra.s32 s2, $0x2;
	s2 =	sadd.s32 $0x200, s2  }
0x3f: {  	[tilespmem:s0+$0x8270] =	vst v0  }
0x40: {  	[tilespmem:s0+$0x8200] =	vst v0  }
0x41: {  	[tilespmem:s0+$0x8210] =	vst v0  }
0x42: {  	[tilespmem:s0+$0x8220] =	vst v0  }
0x43: {  	[tilespmem:s0+$0x8230] =	vst v0  }
0x44: {  	[tilespmem:s0+$0x8240] =	vst v0  }
0x45: {  	[tilespmem:s0+$0x8250] =	vst v0  }
0x46: {  	[tilespmem:s0+$0x8260] =	vst v0  }
0x47: {  	[spmem:s23] =	stream.linear.scatter [tilespmem:s22], [sflag:$0x5], $0x2000, $0x38;
	[tilespmem:$0x1E200] =	vst v63  }
0x48: {  	_ =	swait.ge [sflag:s24], $0x2000  }
0x49: {  	[sflag:s24] =	ssyncset.done $0x0  }
0x4a: {  	s3 =	rddreg [dreg:$0x1e];
	[sflag:s24] =	ssyncadd.s32 $0xFFFFE000  }
0x4b: {  	[spmem:s3] =	stream.linear.scatter [tilespmem:s22], [sflag:$0x5], $0x2000, $0x38;
	[tilespmem:$0x1E200] =	vst v63  }
0x4c: {  	_ =	swait.ge [sflag:s24], $0x2000  }
0x4d: {  	[sflag:s24] =	ssyncset.done $0x0  }
0x4e: {  	[sflag:s24] =	ssyncadd.s32 $0xFFFFE000  }
0x4f: {  	[spmem:s4] =	stream.linear.scatter [tilespmem:s22], [sflag:$0x5], $0x2000, $0x38;
	[tilespmem:$0x1E200] =	vst v63  }
0x50: {  	_ =	swait.ge [sflag:s24], $0x2000  }
0x51: {  	[sflag:s24] =	ssyncset.done $0x0  }
0x52: {  	[sflag:s24] =	ssyncadd.s32 $0xFFFFE000  }
0x53: {  	[spmem:s5] =	stream.linear.scatter [tilespmem:s22], [sflag:$0x5], $0x2000, $0x38;
	[tilespmem:$0x1E200] =	vst v63  }
0x54: {  	_ =	swait.ge [sflag:s24], $0x2000  }
0x55: {  	[sflag:s24] =	ssyncset.done $0x0  }
0x56: {  	[sflag:s24] =	ssyncadd.s32 $0xFFFFE000  }
0x57: {  	[spmem:s10] =	stream.linear.scatter [tilespmem:s22], [sflag:$0x5], $0x2000, $0x38;
	[tilespmem:$0x1E200] =	vst v63  }
0x58: {  	_ =	swait.ge [sflag:s24], $0x2000  }
0x59: {  	[sflag:s24] =	ssyncset.done $0x0  }
0x5a: {  	[sflag:s24] =	ssyncadd.s32 $0xFFFFE000  }
0x5b: {  	[spmem:s11] =	stream.linear.scatter [tilespmem:s22], [sflag:$0x5], $0x2000, $0x38;
	[tilespmem:$0x1E200] =	vst v63  }
0x5c: {  	_ =	swait.ge [sflag:s24], $0x2000  }
0x5d: {  	[sflag:s24] =	ssyncset.done $0x0  }
0x5e: {  	[sflag:s24] =	ssyncadd.s32 $0xFFFFE000  }
0x5f: {  	[spmem:s12] =	stream.linear.scatter [tilespmem:s22], [sflag:$0x5], $0x2000, $0x38;
	[tilespmem:$0x1E200] =	vst v63  }
0x60: {  	_ =	swait.ge [sflag:s24], $0x2000  }
0x61: {  	[sflag:s24] =	ssyncset.done $0x0  }
0x62: {  	[sflag:s24] =	ssyncadd.s32 $0xFFFFE000  }
0x63: {  	[spmem:s13] =	stream.linear.scatter [tilespmem:s22], [sflag:$0x5], $0x2000, $0x38;
	[tilespmem:$0x1E200] =	vst v63  }
0x64: {  	_ =	swait.ge [sflag:s24], $0x2000  }
0x65: {  	[sflag:s24] =	ssyncset.done $0x0  }
0x66: {  	[sflag:s24] =	ssyncadd.s32 $0xFFFFE000  }
0x67: {  	[spmem:s14] =	stream.linear.scatter [tilespmem:s22], [sflag:$0x5], $0x2000, $0x38;
	[tilespmem:$0x1E200] =	vst v63  }
0x68: {  	_ =	swait.ge [sflag:s24], $0x2000  }
0x69: {  	[sflag:s24] =	ssyncset.done $0x0  }
0x6a: {  	[sflag:s24] =	ssyncadd.s32 $0xFFFFE000  }
0x6b: {  	[spmem:s15] =	stream.linear.scatter [tilespmem:s22], [sflag:$0x5], $0x2000, $0x38;
	[tilespmem:$0x1E200] =	vst v63  }
0x6c: {  	_ =	swait.ge [sflag:s24], $0x2000  }
0x6d: {  	[sflag:s24] =	ssyncset.done $0x0  }
0x6e: {  	[sflag:s24] =	ssyncadd.s32 $0xFFFFE000  }
0x6f: {  	_ =	swait.ge [sflag:s25], $0x80  }
0x70: {  	[sflag:s25] =	ssyncset.done $0x0  }
0x71: {  	[sflag:s25] =	ssyncadd.s32 $0xFFFFFF80  }
0x72: {  	_ =	swait.ge [sflag:s25], $0x80  }
0x73: {  	[sflag:s25] =	ssyncset.done $0x0  }
0x74: {  	[sflag:s25] =	ssyncadd.s32 $0xFFFFFF80  }
0x75: {  	s2 =	simm.s32 $0x0;
	[bflag:$0x0] =	sbarrier.arrive $0xFFFF  }
0x76: {  	[tilespmem:s26], [sflag:$0x3] =	stream.indirect.gather [hbm4b:s18+s17], $0x80, s2, s17, $0xb8;
	[tilespmem:$0x1E200] =	vst v63  }
0x77: {  	_ =	swait.ge [sflag:s28], $0x4000  }
0x78: {  	[sflag:s28] =	ssyncset.done $0x0  }
0x79: {  	[sflag:s28] =	ssyncadd.s32 $0xFFFFC000  }
0x7a: {  	_ =	swait.ge [sflag:s29], $0x80  }
0x7b: {  	[sflag:s29] =	ssyncset.done $0x0  }
0x7c: {  	[sflag:s29] =	ssyncadd.s32 $0xFFFFFF80  }
0x7d: {  	_ =	swait.ge [sflag:s29], $0x80  }
0x7e: {  	[sflag:s29] =	ssyncset.done $0x0  }
0x7f: {  	[sflag:s29] =	ssyncadd.s32 $0xFFFFFF80  }
0x80: {  	[tilespmem:s30], [sflag:$0x4] =	stream.indirect.gather [hbm4b:s18+s17], $0x80, s17, s17, $0xb8;
	[tilespmem:$0x1E200] =	vst v63  }
0x81: {  	_ = 	snop  }
0x82: {  	[spmem:s21] =	stream.indirect.scatter.add.f32 [tilespmem:s26], [sflag:$0x5], $0x80, s16, s17, $0xb8;
	[tilespmem:$0x1E200] =	vst v63  }
0x83: {  	_ =	swait.ge [sflag:s24], $0x4000  }
0x84: {  	[sflag:s24] =	ssyncset.done $0x0  }
0x85: {  	s3 =	sadd.s32 $0x0, s9;
	[sflag:s24] =	ssyncadd.s32 $0xFFFFC000  }
0x86: {  	[tilespmem:s1], [sflag:$0x1] =	stream.linear.gather [hbm4b:s3+s1], $0x80, $0x38;
	[tilespmem:$0x1E200] =	vst v63  }
0x87: {  	s2 =	sadd.s32 $0x0, s8  }
0x88: {  	[tilespmem:s16], [sflag:$0x1] =	stream.linear.gather [hbm4b:s2+s1], $0x80, $0x38;
	[tilespmem:$0x1E200] =	vst v63  }
0x89: {  	_ =	swait.ge [sflag:s31], $0x4000  }
0x8a: {  	[sflag:s31] =	ssyncset.done $0x0  }
0x8b: {  	[sflag:s31] =	ssyncadd.s32 $0xFFFFC000  }
0x8c: {  	_ =	swait.ge [sflag:s25], $0x80  }
0x8d: {  	[sflag:s25] =	ssyncset.done $0x0  }
0x8e: {  	[sflag:s25] =	ssyncadd.s32 $0xFFFFFF80  }
0x8f: {  	_ =	swait.ge [sflag:s25], $0x80  }
0x90: {  	[sflag:s25] =	ssyncset.done $0x0  }
0x91: {  	[sflag:s25] =	ssyncadd.s32 $0xFFFFFF80  }
0x92: {  	[tilespmem:s26], [sflag:$0x3] =	stream.indirect.gather [hbm4b:s18+s17], $0x80, s1, s17, $0xb8;
	[tilespmem:$0x1E200] =	vst v63  }
0x93: {  	_ = 	snop  }
0x94: {  	[spmem:s21] =	stream.indirect.scatter.add.f32 [tilespmem:s30], [sflag:$0x5], $0x80, s20, s17, $0xb8;
	[tilespmem:$0x1E200] =	vst v63  }
0x95: {  	_ =	swait.ge [sflag:s24], $0x4000  }
0x96: {  	s0 =	simm.s32 $0x20;
	[sflag:s24] =	ssyncset.done $0x0  }
0x97: {  	s3 =	sadd.s32 $0x0, s7;
	s2 =	sadd.s32 $0x0, s6;
	[sflag:s24] =	ssyncadd.s32 $0xFFFFC000  }
0x98: {  	[tilespmem:s17], [sflag:$0x2] =	stream.linear.gather [hbm4b:s3+s1], $0x80, $0x38;
	[tilespmem:$0x1E200] =	vst v63  }
.LBB2_4:
0x99: {  	[tilespmem:s20], [sflag:$0x2] =	stream.linear.gather [hbm4b:s2+s1], $0x80, $0x38;
	[tilespmem:$0x1E200] =	vst v63  }
0x9a: {  	s2 =	smov.u32 s0  }
0x9b: {  	p0 =	sne.s32 s0, $0x4C0;
	s0 =	sadd.s32 $0x20, s0;
	_ =	swait.ge [sflag:s28], $0x4000  }
0x9c: {  	[sflag:s28] =	ssyncset.done $0x0  }
0x9d: {  	[sflag:s28] =	ssyncadd.s32 $0xFFFFC000  }
0x9e: {  	_ =	swait.ge [sflag:s29], $0x80  }
0x9f: {  	[sflag:s29] =	ssyncset.done $0x0  }
0xa0: {  	[sflag:s29] =	ssyncadd.s32 $0xFFFFFF80  }
0xa1: {  	_ =	swait.ge [sflag:s29], $0x80  }
0xa2: {  	[sflag:s29] =	ssyncset.done $0x0  }
0xa3: {  	[sflag:s29] =	ssyncadd.s32 $0xFFFFFF80  }
0xa4: {  	[tilespmem:s30], [sflag:$0x4] =	stream.indirect.gather [hbm4b:s18+s17], $0x80, s17, s17, $0xb8;
	[tilespmem:$0x1E200] =	vst v63  }
0xa5: {  	_ = 	snop  }
0xa6: {  	[spmem:s21] =	stream.indirect.scatter.add.f32 [tilespmem:s26], [sflag:$0x5], $0x80, s16, s17, $0xb8;
	[tilespmem:$0x1E200] =	vst v63  }
0xa7: {  	_ =	swait.ge [sflag:s24], $0x4000  }
0xa8: {  	[sflag:s24] =	ssyncset.done $0x0  }
0xa9: {  	s3 =	sadd.s32 s2, s9;
	[sflag:s24] =	ssyncadd.s32 $0xFFFFC000  }
0xaa: {  	[tilespmem:s1], [sflag:$0x1] =	stream.linear.gather [hbm4b:s3+s1], $0x80, $0x38;
	[tilespmem:$0x1E200] =	vst v63  }
0xab: {  	s3 =	sadd.s32 s2, s8  }
0xac: {  	[tilespmem:s16], [sflag:$0x1] =	stream.linear.gather [hbm4b:s3+s1], $0x80, $0x38;
	[tilespmem:$0x1E200] =	vst v63  }
0xad: {  	_ =	swait.ge [sflag:s31], $0x4000  }
0xae: {  	[sflag:s31] =	ssyncset.done $0x0  }
0xaf: {  	[sflag:s31] =	ssyncadd.s32 $0xFFFFC000  }
0xb0: {  	_ =	swait.ge [sflag:s25], $0x80  }
0xb1: {  	[sflag:s25] =	ssyncset.done $0x0  }
0xb2: {  	[sflag:s25] =	ssyncadd.s32 $0xFFFFFF80  }
0xb3: {  	_ =	swait.ge [sflag:s25], $0x80  }
0xb4: {  	[sflag:s25] =	ssyncset.done $0x0  }
0xb5: {  	[sflag:s25] =	ssyncadd.s32 $0xFFFFFF80  }
0xb6: {  	[tilespmem:s26], [sflag:$0x3] =	stream.indirect.gather [hbm4b:s18+s17], $0x80, s1, s17, $0xb8;
	[tilespmem:$0x1E200] =	vst v63  }
0xb7: {  	_ = 	snop  }
0xb8: {  	[spmem:s21] =	stream.indirect.scatter.add.f32 [tilespmem:s30], [sflag:$0x5], $0x80, s20, s17, $0xb8;
	[tilespmem:$0x1E200] =	vst v63  }
.Ltmp1:
0xb9: {  	_ =	swait.ge [sflag:s24], $0x4000;
	(pc) =	sbr.rel @p0 .LBB2_4-.Ltmp1, $4  }
0xba: {  	[sflag:s24] =	ssyncset.done $0x0  }
0xbb: {  	s3 =	sadd.s32 s2, s7;
	[sflag:s24] =	ssyncadd.s32 $0xFFFFC000  }
0xbc: {  	[tilespmem:s17], [sflag:$0x2] =	stream.linear.gather [hbm4b:s3+s1], $0x80, $0x38;
	[tilespmem:$0x1E200] =	vst v63  }
0xbd: {  	s2 =	sadd.s32 s2, s6  }
0xbe: {  	[tilespmem:s20], [sflag:$0x2] =	stream.linear.gather [hbm4b:s2+s1], $0x80, $0x38;
	[tilespmem:$0x1E200] =	vst v63  }
0xbf: {  	_ =	swait.ge [sflag:s28], $0x4000  }
0xc0: {  	[sflag:s28] =	ssyncset.done $0x0  }
0xc1: {  	[sflag:s28] =	ssyncadd.s32 $0xFFFFC000  }
0xc2: {  	_ =	swait.ge [sflag:s29], $0x80  }
0xc3: {  	[sflag:s29] =	ssyncset.done $0x0  }
0xc4: {  	[sflag:s29] =	ssyncadd.s32 $0xFFFFFF80  }
0xc5: {  	_ =	swait.ge [sflag:s29], $0x80  }
0xc6: {  	[sflag:s29] =	ssyncset.done $0x0  }
0xc7: {  	[sflag:s29] =	ssyncadd.s32 $0xFFFFFF80  }
0xc8: {  	[tilespmem:s30], [sflag:$0x4] =	stream.indirect.gather [hbm4b:s18+s17], $0x80, s17, s17, $0xb8;
	[tilespmem:$0x1E200] =	vst v63  }
0xc9: {  	_ = 	snop  }
0xca: {  	[spmem:s21] =	stream.indirect.scatter.add.f32 [tilespmem:s26], [sflag:$0x5], $0x80, s16, s17, $0xb8;
	[tilespmem:$0x1E200] =	vst v63  }
0xcb: {  	_ =	swait.ge [sflag:s24], $0x4000  }
0xcc: {  	[sflag:s24] =	ssyncset.done $0x0  }
0xcd: {  	[sflag:s24] =	ssyncadd.s32 $0xFFFFC000  }
0xce: {  	_ =	swait.ge [sflag:s31], $0x4000  }
0xcf: {  	[sflag:s31] =	ssyncset.done $0x0  }
0xd0: {  	[sflag:s31] =	ssyncadd.s32 $0xFFFFC000  }
0xd1: {  	[spmem:s21] =	stream.indirect.scatter.add.f32 [tilespmem:s30], [sflag:$0x5], $0x80, s20, s17, $0xb8;
	[tilespmem:$0x1E200] =	vst v63  }
0xd2: {  	_ =	swait.ge [sflag:s24], $0x4000  }
0xd3: {  	[sflag:s24] =	ssyncset.done $0x0  }
0xd4: {  	[sflag:s24] =	ssyncadd.s32 $0xFFFFC000  }
0xd5: {  	[bflag:$0x0] =	sbarrier.arrive $0xFFFF  }
0xd6: {  	[tilespmem:s22], [sflag:$0x5] =	stream.linear.gather [spmem:s23], $0x2000, $0x38;
	[tilespmem:$0x1E200] =	vst v63  }
0xd7: {  	_ =	swait.ge [sflag:s24], $0x2000  }
0xd8: {  	[sflag:s24] =	ssyncset.done $0x0  }
0xd9: {  	s0 =	rddreg [dreg:$0xa];
	[sflag:s24] =	ssyncadd.s32 $0xFFFFE000  }
0xda: {  	[hbm4b:s0+s1] =	stream.linear.scatter [tilespmem:s22], [sflag:$0x5], $0x2000, $0x38;
	[tilespmem:$0x1E200] =	vst v63  }
0xdb: {  	_ =	swait.ge [sflag:s24], $0x2000  }
0xdc: {  	[sflag:s24] =	ssyncset.done $0x0  }
0xdd: {  	s3 =	rddreg [dreg:$0x15];
	[sflag:s24] =	ssyncadd.s32 $0xFFFFE000  }
0xde: {  	[tilespmem:s22], [sflag:$0x5] =	stream.linear.gather [spmem:s3], $0x2000, $0x38;
	[tilespmem:$0x1E200] =	vst v63  }
0xdf: {  	_ =	swait.ge [sflag:s24], $0x2000  }
0xe0: {  	[sflag:s24] =	ssyncset.done $0x0  }
0xe1: {  	s2 =	rddreg [dreg:$0xb];
	[sflag:s24] =	ssyncadd.s32 $0xFFFFE000  }
0xe2: {  	[hbm4b:s2+s1] =	stream.linear.scatter [tilespmem:s22], [sflag:$0x5], $0x2000, $0x38;
	[tilespmem:$0x1E200] =	vst v63  }
0xe3: {  	_ =	swait.ge [sflag:s24], $0x2000  }
0xe4: {  	[sflag:s24] =	ssyncset.done $0x0  }
0xe5: {  	s3 =	rddreg [dreg:$0x16];
	[sflag:s24] =	ssyncadd.s32 $0xFFFFE000  }
0xe6: {  	[tilespmem:s22], [sflag:$0x5] =	stream.linear.gather [spmem:s3], $0x2000, $0x38;
	[tilespmem:$0x1E200] =	vst v63  }
0xe7: {  	_ =	swait.ge [sflag:s24], $0x2000  }
0xe8: {  	[sflag:s24] =	ssyncset.done $0x0  }
0xe9: {  	s2 =	rddreg [dreg:$0xc];
	[sflag:s24] =	ssyncadd.s32 $0xFFFFE000  }
0xea: {  	[hbm4b:s2+s1] =	stream.linear.scatter [tilespmem:s22], [sflag:$0x5], $0x2000, $0x38;
	[tilespmem:$0x1E200] =	vst v63  }
0xeb: {  	_ =	swait.ge [sflag:s24], $0x2000  }
0xec: {  	[sflag:s24] =	ssyncset.done $0x0  }
0xed: {  	s3 =	rddreg [dreg:$0x17];
	[sflag:s24] =	ssyncadd.s32 $0xFFFFE000  }
0xee: {  	[tilespmem:s22], [sflag:$0x5] =	stream.linear.gather [spmem:s3], $0x2000, $0x38;
	[tilespmem:$0x1E200] =	vst v63  }
0xef: {  	_ =	swait.ge [sflag:s24], $0x2000  }
0xf0: {  	[sflag:s24] =	ssyncset.done $0x0  }
0xf1: {  	s2 =	rddreg [dreg:$0xd];
	[sflag:s24] =	ssyncadd.s32 $0xFFFFE000  }
0xf2: {  	[hbm4b:s2+s1] =	stream.linear.scatter [tilespmem:s22], [sflag:$0x5], $0x2000, $0x38;
	[tilespmem:$0x1E200] =	vst v63  }
0xf3: {  	_ =	swait.ge [sflag:s24], $0x2000  }
0xf4: {  	[sflag:s24] =	ssyncset.done $0x0  }
0xf5: {  	s3 =	rddreg [dreg:$0x18];
	[sflag:s24] =	ssyncadd.s32 $0xFFFFE000  }
0xf6: {  	[tilespmem:s22], [sflag:$0x5] =	stream.linear.gather [spmem:s3], $0x2000, $0x38;
	[tilespmem:$0x1E200] =	vst v63  }
0xf7: {  	_ =	swait.ge [sflag:s24], $0x2000  }
0xf8: {  	[sflag:s24] =	ssyncset.done $0x0  }
0xf9: {  	s2 =	rddreg [dreg:$0xe];
	[sflag:s24] =	ssyncadd.s32 $0xFFFFE000  }
0xfa: {  	[hbm4b:s2+s1] =	stream.linear.scatter [tilespmem:s22], [sflag:$0x5], $0x2000, $0x38;
	[tilespmem:$0x1E200] =	vst v63  }
0xfb: {  	_ =	swait.ge [sflag:s24], $0x2000  }
0xfc: {  	[sflag:s24] =	ssyncset.done $0x0  }
0xfd: {  	s3 =	rddreg [dreg:$0x19];
	[sflag:s24] =	ssyncadd.s32 $0xFFFFE000  }
0xfe: {  	[tilespmem:s22], [sflag:$0x5] =	stream.linear.gather [spmem:s3], $0x2000, $0x38;
	[tilespmem:$0x1E200] =	vst v63  }
0xff: {  	_ =	swait.ge [sflag:s24], $0x2000  }
0x100: {  	[sflag:s24] =	ssyncset.done $0x0  }
0x101: {  	s2 =	rddreg [dreg:$0xf];
	[sflag:s24] =	ssyncadd.s32 $0xFFFFE000  }
0x102: {  	[hbm4b:s2+s1] =	stream.linear.scatter [tilespmem:s22], [sflag:$0x5], $0x2000, $0x38;
	[tilespmem:$0x1E200] =	vst v63  }
0x103: {  	_ =	swait.ge [sflag:s24], $0x2000  }
0x104: {  	[sflag:s24] =	ssyncset.done $0x0  }
0x105: {  	s3 =	rddreg [dreg:$0x1a];
	[sflag:s24] =	ssyncadd.s32 $0xFFFFE000  }
0x106: {  	[tilespmem:s22], [sflag:$0x5] =	stream.linear.gather [spmem:s3], $0x2000, $0x38;
	[tilespmem:$0x1E200] =	vst v63  }
0x107: {  	_ =	swait.ge [sflag:s24], $0x2000  }
0x108: {  	[sflag:s24] =	ssyncset.done $0x0  }
0x109: {  	s2 =	rddreg [dreg:$0x10];
	[sflag:s24] =	ssyncadd.s32 $0xFFFFE000  }
0x10a: {  	[hbm4b:s2+s1] =	stream.linear.scatter [tilespmem:s22], [sflag:$0x5], $0x2000, $0x38;
	[tilespmem:$0x1E200] =	vst v63  }
0x10b: {  	_ =	swait.ge [sflag:s24], $0x2000  }
0x10c: {  	[sflag:s24] =	ssyncset.done $0x0  }
0x10d: {  	s3 =	rddreg [dreg:$0x1b];
	[sflag:s24] =	ssyncadd.s32 $0xFFFFE000  }
0x10e: {  	[tilespmem:s22], [sflag:$0x5] =	stream.linear.gather [spmem:s3], $0x2000, $0x38;
	[tilespmem:$0x1E200] =	vst v63  }
0x10f: {  	_ =	swait.ge [sflag:s24], $0x2000  }
0x110: {  	[sflag:s24] =	ssyncset.done $0x0  }
0x111: {  	s2 =	rddreg [dreg:$0x11];
	[sflag:s24] =	ssyncadd.s32 $0xFFFFE000  }
0x112: {  	[hbm4b:s2+s1] =	stream.linear.scatter [tilespmem:s22], [sflag:$0x5], $0x2000, $0x38;
	[tilespmem:$0x1E200] =	vst v63  }
0x113: {  	_ =	swait.ge [sflag:s24], $0x2000  }
0x114: {  	[sflag:s24] =	ssyncset.done $0x0  }
0x115: {  	s3 =	rddreg [dreg:$0x1c];
	[sflag:s24] =	ssyncadd.s32 $0xFFFFE000  }
0x116: {  	[tilespmem:s22], [sflag:$0x5] =	stream.linear.gather [spmem:s3], $0x2000, $0x38;
	[tilespmem:$0x1E200] =	vst v63  }
0x117: {  	_ =	swait.ge [sflag:s24], $0x2000  }
0x118: {  	[sflag:s24] =	ssyncset.done $0x0  }
0x119: {  	s2 =	rddreg [dreg:$0x12];
	[sflag:s24] =	ssyncadd.s32 $0xFFFFE000  }
0x11a: {  	[hbm4b:s2+s1] =	stream.linear.scatter [tilespmem:s22], [sflag:$0x5], $0x2000, $0x38;
	[tilespmem:$0x1E200] =	vst v63  }
0x11b: {  	_ =	swait.ge [sflag:s24], $0x2000  }
0x11c: {  	[sflag:s24] =	ssyncset.done $0x0  }
0x11d: {  	s3 =	rddreg [dreg:$0x1d];
	[sflag:s24] =	ssyncadd.s32 $0xFFFFE000  }
0x11e: {  	[tilespmem:s22], [sflag:$0x5] =	stream.linear.gather [spmem:s3], $0x2000, $0x38;
	[tilespmem:$0x1E200] =	vst v63  }
0x11f: {  	_ =	swait.ge [sflag:s24], $0x2000  }
0x120: {  	[sflag:s24] =	ssyncset.done $0x0  }
0x121: {  	s2 =	rddreg [dreg:$0x13];
	[sflag:s24] =	ssyncadd.s32 $0xFFFFE000  }
0x122: {  	[hbm4b:s2+s1] =	stream.linear.scatter [tilespmem:s22], [sflag:$0x5], $0x2000, $0x38;
	[tilespmem:$0x1E200] =	vst v63  }
0x123: {  	_ =	swait.ge [sflag:s24], $0x2000  }
0x124: {  	s19 =	sadd.s32 $0x1, s19;
	s3 =	rddreg [dreg:$0x14]  }
0x125: {  	p0 =	sne.s32 s19, s3  }
.Ltmp2:
0x126: {  	_ = 	snop;
	(pc) =	sbr.rel @p0 .LBB2_1-.Ltmp2, $3  }
0x127: {  	_ =	sdelay $0x1  }
0x128: {  	[sflag:s24] =	ssyncset.done $0x0  }
0x129: {  	[sflag:s24] =	ssyncadd.s32 $0xFFFFE000  }
0x12a: {  	_ =	sfence.sel $0x180000  }
0x12b: {  	[bflag:$0x0] =	sbarrier.arrive $0xFFFF  }
0x12c: {  	_ =	strace $0x90000047  }
0x12d: {  	s0 =	stileid.u32;
	[bflag:$0x2] =	sbarrier.arrive $0xFFFF  }
0x12e: {  	p0 =	sne.s32 s0, $0x0;
	s0 =	rddreg [dreg:$0x5]  }
0x12f: {  	s0 =	sadd.s32 @!p0 $0x100000, s0  }
0x130: {  	[sflag:s0] =	ssyncadd.tile.s32 @!p0 $0x1;
	_ =	shalt  }
.Lfunc_end2:
_tile_overlayer_lowered:
.L_overlay_start_2:
0x131: {  	(tag) =	ssettag $0x2  }
0x132: {  	s0 =	rddreg [dreg:$0x0];
	s2 =	stileid.u32  }
0x133: {  	s1 =	rddreg [dreg:$0x1];
	p0 =	sne.s32 s2, $0x0  }
0x134: {  	s3 =	rddreg [dreg:$0x2];
	[bflag:$0x3] =	sbarrier.arrive $0xFFFF;
	s2 =	simm.s32 @!p0 $0x1C05  }
0x135: {  	[timem:s3], [sflag:s2] =	dma.local @!p0 [hbm:s0], s1  }
0x136: {  	s0 =	simm.s32 @!p0 $0x5  }
0x137: {  	_ =	swait.ge @!p0 [sflag:s0], s1  }
0x138: {  	s1 =	ssub.s32 @!p0 $0x0, s1;
	[sflag:s0] =	ssyncset.done @!p0 $0x0  }
0x139: {  	[sflag:s0] =	ssyncadd.s32 @!p0 s1  }
0x13a: {  	[bflag:$0x3] =	sbarrier.arrive $0xFFFF  }
0x13b: {  	_ =	shalt  }

</sc_bundles>
